<compile_context>
chip_gen: v7x
topology: tpu7x:2x2x1
jax: 0.10.2.dev20260603
libtpu: 0.0.44.dev20260713+nightly
codegen_flags: <defaults>
</compile_context>

<pallas_src>
import jax
import jax.numpy as jnp
from jax import lax
from jax.experimental import pallas as pl
from jax.experimental.pallas import tpu as pltpu
from jax.experimental.pallas import tpu_sc as plsc

N = 160000
D = 256
NSEG = 10000

NPAD = 163840
ROWS2D = NPAD // 128
RB = 2048
GRID = NPAD // RB
SWIN = 192
ACC = 10240

NW = 32
RPT = NPAD // NW
CROWS = RPT // 128


def _pool_body(x_ref, w_ref, idx_ref, wg_ref, scal_ref, u_ref, t_ref):
    i = pl.program_id(0)

    @pl.when(i == 0)
    def _():
        u_ref[...] = jnp.zeros_like(u_ref)

    bg = scal_ref[0, 0]
    p = scal_ref[0, 1]
    g = lax.dot_general(wg_ref[...], x_ref[...], (((1,), (1,)), ((), ())),
                        preferred_element_type=jnp.float32)
    rowsl = i * RB + lax.broadcasted_iota(jnp.int32, (1, RB), 1)
    t_row = jnp.where(rowsl < N,
                      jnp.power(w_ref[0], p) * jnp.exp(g + bg), 0.0)
    t_ref[0] = t_row
    iw = idx_ref[0]

    rowsc = i * RB + lax.broadcasted_iota(jnp.int32, (RB, 1), 0)
    xzb = jnp.where(rowsc < N, x_ref[...], 0.0).astype(jnp.bfloat16)

    wb0 = (jnp.min(iw) // 8) * 8

    def cond(wb):
        return wb < jnp.int32(16384)

    def body(wb):
        iota_s = lax.broadcasted_iota(jnp.int32, (SWIN, RB), 0)
        onehot = jnp.where(iw - wb == iota_s, t_row, 0.0)
        contrib = lax.dot_general(onehot.astype(jnp.bfloat16), xzb,
                                  (((1,), (0,)), ((), ())),
                                  preferred_element_type=jnp.float32)
        wba = pl.multiple_of(wb, 8)
        u_ref[pl.ds(wba, SWIN), :] += contrib
        nxt = jnp.min(jnp.where(iw >= wb + SWIN, iw, jnp.int32(1 << 24)))
        return (nxt // 8) * 8

    lax.while_loop(cond, body, wb0)


def _pool(x, w_rows, idx_rows, wg_t, scal):
    return pl.pallas_call(
        _pool_body,
        grid=(GRID,),
        in_specs=[
            pl.BlockSpec((RB, D), lambda i: (jnp.minimum(i, N // RB), 0)),
            pl.BlockSpec((1, 1, RB), lambda i: (i, 0, 0)),
            pl.BlockSpec((1, 1, RB), lambda i: (i, 0, 0)),
            pl.BlockSpec((1, D), lambda i: (0, 0)),
            pl.BlockSpec(memory_space=pltpu.SMEM),
        ],
        out_specs=[
            pl.BlockSpec((ACC, D), lambda i: (0, 0)),
            pl.BlockSpec((1, 1, RB), lambda i: (i, 0, 0)),
        ],
        out_shape=[
            jax.ShapeDtypeStruct((ACC, D), jnp.float32),
            jax.ShapeDtypeStruct((GRID, 1, RB), jnp.float32),
        ],
        compiler_params=pltpu.CompilerParams(
            dimension_semantics=("arbitrary",)),
    )(x, w_rows, idx_rows, wg_t, scal)


def _psum_body(t_hbm, idx_hbm, out_hbm, t_v, i_v, z_v, shared):
    cid = lax.axis_index("c")
    sid = lax.axis_index("s")
    wid = cid * 16 + sid

    for j in range(ACC // 16 // 16):
        z_v[pl.ds(j * 16, 16)] = jnp.zeros((16,), jnp.float32)
    pltpu.sync_copy(z_v, shared.at[pl.ds(sid * (ACC // 16), ACC // 16)])
    plsc.subcore_barrier()

    pltpu.sync_copy(t_hbm.at[pl.ds(wid * CROWS, CROWS), :], t_v)
    pltpu.sync_copy(idx_hbm.at[pl.ds(wid * CROWS, CROWS), :], i_v)

    def chunk(j, carry):
        pltpu.sync_copy(t_v.at[j], shared.at[i_v.at[j]], add=True)
        return carry

    lax.fori_loop(0, CROWS, chunk, 0)
    plsc.subcore_barrier()

    @pl.when(sid == 0)
    def _():
        pltpu.sync_copy(shared, out_hbm.at[cid])


def _den_sc(t2d, idx2d):
    mesh = plsc.VectorSubcoreMesh(core_axis_name="c", subcore_axis_name="s")
    f = pl.kernel(
        _psum_body,
        out_type=jax.ShapeDtypeStruct((2, ACC), jnp.float32),
        mesh=mesh,
        scratch_types=[
            pltpu.VMEM((CROWS, 128), jnp.float32),
            pltpu.VMEM((CROWS, 128), jnp.int32),
            pltpu.VMEM((ACC // 16,), jnp.float32),
            pltpu.VMEM_SHARED((ACC,), jnp.float32),
        ],
    )
    return f(t2d, idx2d)


def _norm_mm_body(u_ref, parts_ref, eye_ref, wm_ref, bm_ref, out_ref, col_ref):
    den_row = parts_ref[pl.ds(0, 1), :] + parts_ref[pl.ds(1, 1), :]
    for c in range(ACC // 128):
        chunk = den_row[:, c * 128:(c + 1) * 128]
        colc = lax.dot_general(eye_ref[...], chunk, (((1,), (1,)), ((), ())),
                               preferred_element_type=jnp.float32)
        col_ref[pl.ds(c * 128, 128), :] = colc
    den1 = col_ref[pl.ds(0, NSEG), :]
    rec = 1.0 / (den1 + 1e-10)
    outv = jnp.dot(u_ref[pl.ds(0, NSEG), :] * rec, wm_ref[...],
                   preferred_element_type=jnp.float32)
    out_ref[...] = outv + (den1 * rec) * bm_ref[...]


def _norm_mm(u, parts, eye, wm, bm_r):
    return pl.pallas_call(
        _norm_mm_body,
        out_shape=jax.ShapeDtypeStruct((NSEG, D), jnp.float32),
        scratch_shapes=[pltpu.VMEM((ACC, 1), jnp.float32)],
    )(u, parts, eye, wm, bm_r)


def kernel(x, index, weights, Wg, bg, Wm, bm, p):
    idx32 = index.astype(jnp.int32)
    idx_flat = jnp.concatenate(
        [idx32, jnp.full((NPAD - N,), NSEG - 1, jnp.int32)])
    idx2d = idx_flat.reshape(ROWS2D, 128)
    w_flat = jnp.concatenate(
        [weights[:, 0], jnp.ones((NPAD - N,), jnp.float32)])
    wg_t = Wg.reshape(1, D)
    scal = jnp.stack([bg[0], p[0]]).reshape(1, 2)

    u, t_rows = _pool(x, w_flat.reshape(GRID, 1, RB),
                      idx_flat.reshape(GRID, 1, RB), wg_t, scal)
    parts = _den_sc(t_rows.reshape(ROWS2D, 128), idx2d)
    return _norm_mm(u, parts, jnp.eye(128, dtype=jnp.float32), Wm,
                    bm.reshape(1, D))

# --- scband reference (transcript-rebuilt; emitter-appended) ---
"""Pipeline reference for scband-weighted-attention-pooling-10591389352019 (READ-ONLY COPY).

The authoritative reference and input builder live on the scoring server;
editing this copy changes nothing except your own understanding.
"""

import jax, jax.numpy as jnp
import numpy as np

N = 160000
D = 256
N_SEG = 10000

def setup_inputs(seed: int = 0) -> dict:
    key = jax.random.key(seed)
    k = jax.random.split(key, 8)
    x = jax.random.normal(k[0], (N, D), dtype=jnp.float32)
    index = jnp.sort(jax.random.randint(k[1], (N,), 0, N_SEG, dtype=jnp.int64))
    weights = jax.random.uniform(k[2], (N, 1), dtype=jnp.float32)
    # learned params
    Wg = jax.random.normal(k[3], (D, 1), dtype=jnp.float32) * (1.0 / np.sqrt(D))
    bg = jnp.zeros((1,), dtype=jnp.float32)
    Wm = jax.random.normal(k[4], (D, D), dtype=jnp.float32) * (1.0 / np.sqrt(D))
    bm = jnp.zeros((D,), dtype=jnp.float32)
    p = jax.random.normal(k[5], (1,), dtype=jnp.float32)
    return {"x": x, "index": index, "weights": weights, "Wg": Wg, "bg": bg, "Wm": Wm, "bm": bm, "p": p}

def reference(x, index, weights, Wg, bg, Wm, bm, p):
    # gate = gate_nn(x)  -> [N, 1]
    gate = x @ Wg + bg
    # gate = gate - scatter_max(gate, index)[0][index]
    seg_max = jax.ops.segment_max(gate, index, num_segments=N_SEG)
    gate = gate - seg_max[index]
    # gate = weights ** pow * gate.exp()
    gate = weights ** p * jnp.exp(gate)
    # gate = gate / (scatter_add(gate, index)[index] + 1e-10)
    denom = jax.ops.segment_sum(gate, index, num_segments=N_SEG)
    gate = gate / (denom[index] + 1e-10)
    # x = message_nn(x)
    msg = x @ Wm + bm
    # out = scatter_add(gate * x, index)
    out = jax.ops.segment_sum(gate * msg, index, num_segments=N_SEG)
    return out

if __name__ == "__main__":
    import jax
    _d = setup_inputs()
    print(jax.jit(kernel)(*tuple(_d.values())))

</pallas_src>

<mosaic_0001>
#map = affine_map<(d0, d1) -> (0, 0)>
module attributes {stable_mosaic.version = 14 : i64} {
  func.func @_psum_body(%arg0: i32, %arg1: i32, %arg2: memref<1280x128xf32, #tpu.memory_space<hbm>>, %arg3: memref<1280x128xi32, #tpu.memory_space<hbm>>, %arg4: memref<2x10240xf32, #tpu.memory_space<hbm>>, %arg5: memref<40x128xf32, #tpu.memory_space<vmem>>, %arg6: memref<40x128xi32, #tpu.memory_space<vmem>>, %arg7: memref<640xf32, #tpu.memory_space<vmem>>, %arg8: memref<10240xf32, #tpu.memory_space<vmem_shared>>) attributes {dimension_semantics = [#tpu.dimension_semantics<core_parallel>, #tpu.dimension_semantics<subcore_parallel>], iteration_bounds = array<i64: 2, 16>, scalar_prefetch = 0 : i64, scratch_operands = 4 : i64, tpu.core_type = #tpu.core_type<sc_vector_subcore>, window_params = [{transform_indices = #map}, {transform_indices = #map}, {transform_indices = #map}]} {
    %mul3A = arith.constant 16 : i32
    %mul3A_0 = arith.muli %arg0, %mul3A : i32
    %add3A = arith.addi %mul3A_0, %arg1 : i32
    %broadcast_in_dim3A = arith.constant 0.000000e+00 : f32
    %broadcast_in_dim3A_1 = vector.broadcast %broadcast_in_dim3A : f32 to vector<16xf32>
    %swap3A = arith.constant 0 : index
    %swap3A_2 = tpu.vector_load %arg7[%swap3A] {strides = array<i32>} : memref<640xf32, #tpu.memory_space<vmem>>, vector<16xf32>,
    %swap3A_3 = vector.shape_cast %swap3A_2 : vector<16xf32> to vector<16xf32>
    %swap3A_4 = vector.shape_cast %broadcast_in_dim3A_1 : vector<16xf32> to vector<16xf32>
    tpu.vector_store %arg7[%swap3A], %swap3A_4 {strides = array<i32>} : memref<640xf32, #tpu.memory_space<vmem>>, vector<16xf32>,
    %broadcast_in_dim3A_5 = arith.constant 0.000000e+00 : f32
    %broadcast_in_dim3A_6 = vector.broadcast %broadcast_in_dim3A_5 : f32 to vector<16xf32>
    %swap3A_7 = arith.constant 16 : index
    %swap3A_8 = tpu.vector_load %arg7[%swap3A_7] {strides = array<i32>} : memref<640xf32, #tpu.memory_space<vmem>>, vector<16xf32>,
    %swap3A_9 = vector.shape_cast %swap3A_8 : vector<16xf32> to vector<16xf32>
    %swap3A_10 = vector.shape_cast %broadcast_in_dim3A_6 : vector<16xf32> to vector<16xf32>
    tpu.vector_store %arg7[%swap3A_7], %swap3A_10 {strides = array<i32>} : memref<640xf32, #tpu.memory_space<vmem>>, vector<16xf32>,
    %broadcast_in_dim3A_11 = arith.constant 0.000000e+00 : f32
    %broadcast_in_dim3A_12 = vector.broadcast %broadcast_in_dim3A_11 : f32 to vector<16xf32>
    %swap3A_13 = arith.constant 32 : index
    %swap3A_14 = tpu.vector_load %arg7[%swap3A_13] {strides = array<i32>} : memref<640xf32, #tpu.memory_space<vmem>>, vector<16xf32>,
    %swap3A_15 = vector.shape_cast %swap3A_14 : vector<16xf32> to vector<16xf32>
    %swap3A_16 = vector.shape_cast %broadcast_in_dim3A_12 : vector<16xf32> to vector<16xf32>
    tpu.vector_store %arg7[%swap3A_13], %swap3A_16 {strides = array<i32>} : memref<640xf32, #tpu.memory_space<vmem>>, vector<16xf32>,
    %broadcast_in_dim3A_17 = arith.constant 0.000000e+00 : f32
    %broadcast_in_dim3A_18 = vector.broadcast %broadcast_in_dim3A_17 : f32 to vector<16xf32>
    %swap3A_19 = arith.constant 48 : index
    %swap3A_20 = tpu.vector_load %arg7[%swap3A_19] {strides = array<i32>} : memref<640xf32, #tpu.memory_space<vmem>>, vector<16xf32>,
    %swap3A_21 = vector.shape_cast %swap3A_20 : vector<16xf32> to vector<16xf32>
    %swap3A_22 = vector.shape_cast %broadcast_in_dim3A_18 : vector<16xf32> to vector<16xf32>
    tpu.vector_store %arg7[%swap3A_19], %swap3A_22 {strides = array<i32>} : memref<640xf32, #tpu.memory_space<vmem>>, vector<16xf32>,
    %broadcast_in_dim3A_23 = arith.constant 0.000000e+00 : f32
    %broadcast_in_dim3A_24 = vector.broadcast %broadcast_in_dim3A_23 : f32 to vector<16xf32>
    %swap3A_25 = arith.constant 64 : index
    %swap3A_26 = tpu.vector_load %arg7[%swap3A_25] {strides = array<i32>} : memref<640xf32, #tpu.memory_space<vmem>>, vector<16xf32>,
    %swap3A_27 = vector.shape_cast %swap3A_26 : vector<16xf32> to vector<16xf32>
    %swap3A_28 = vector.shape_cast %broadcast_in_dim3A_24 : vector<16xf32> to vector<16xf32>
    tpu.vector_store %arg7[%swap3A_25], %swap3A_28 {strides = array<i32>} : memref<640xf32, #tpu.memory_space<vmem>>, vector<16xf32>,
    %broadcast_in_dim3A_29 = arith.constant 0.000000e+00 : f32
    %broadcast_in_dim3A_30 = vector.broadcast %broadcast_in_dim3A_29 : f32 to vector<16xf32>
    %swap3A_31 = arith.constant 80 : index
    %swap3A_32 = tpu.vector_load %arg7[%swap3A_31] {strides = array<i32>} : memref<640xf32, #tpu.memory_space<vmem>>, vector<16xf32>,
    %swap3A_33 = vector.shape_cast %swap3A_32 : vector<16xf32> to vector<16xf32>
    %swap3A_34 = vector.shape_cast %broadcast_in_dim3A_30 : vector<16xf32> to vector<16xf32>
    tpu.vector_store %arg7[%swap3A_31], %swap3A_34 {strides = array<i32>} : memref<640xf32, #tpu.memory_space<vmem>>, vector<16xf32>,
    %broadcast_in_dim3A_35 = arith.constant 0.000000e+00 : f32
    %broadcast_in_dim3A_36 = vector.broadcast %broadcast_in_dim3A_35 : f32 to vector<16xf32>
    %swap3A_37 = arith.constant 96 : index
    %swap3A_38 = tpu.vector_load %arg7[%swap3A_37] {strides = array<i32>} : memref<640xf32, #tpu.memory_space<vmem>>, vector<16xf32>,
    %swap3A_39 = vector.shape_cast %swap3A_38 : vector<16xf32> to vector<16xf32>
    %swap3A_40 = vector.shape_cast %broadcast_in_dim3A_36 : vector<16xf32> to vector<16xf32>
    tpu.vector_store %arg7[%swap3A_37], %swap3A_40 {strides = array<i32>} : memref<640xf32, #tpu.memory_space<vmem>>, vector<16xf32>,
    %broadcast_in_dim3A_41 = arith.constant 0.000000e+00 : f32
    %broadcast_in_dim3A_42 = vector.broadcast %broadcast_in_dim3A_41 : f32 to vector<16xf32>
    %swap3A_43 = arith.constant 112 : index
    %swap3A_44 = tpu.vector_load %arg7[%swap3A_43] {strides = array<i32>} : memref<640xf32, #tpu.memory_space<vmem>>, vector<16xf32>,
    %swap3A_45 = vector.shape_cast %swap3A_44 : vector<16xf32> to vector<16xf32>
    %swap3A_46 = vector.shape_cast %broadcast_in_dim3A_42 : vector<16xf32> to vector<16xf32>
    tpu.vector_store %arg7[%swap3A_43], %swap3A_46 {strides = array<i32>} : memref<640xf32, #tpu.memory_space<vmem>>, vector<16xf32>,
    %broadcast_in_dim3A_47 = arith.constant 0.000000e+00 : f32
    %broadcast_in_dim3A_48 = vector.broadcast %broadcast_in_dim3A_47 : f32 to vector<16xf32>
    %swap3A_49 = arith.constant 128 : index
    %swap3A_50 = tpu.vector_load %arg7[%swap3A_49] {strides = array<i32>} : memref<640xf32, #tpu.memory_space<vmem>>, vector<16xf32>,
    %swap3A_51 = vector.shape_cast %swap3A_50 : vector<16xf32> to vector<16xf32>
    %swap3A_52 = vector.shape_cast %broadcast_in_dim3A_48 : vector<16xf32> to vector<16xf32>
    tpu.vector_store %arg7[%swap3A_49], %swap3A_52 {strides = array<i32>} : memref<640xf32, #tpu.memory_space<vmem>>, vector<16xf32>,
    %broadcast_in_dim3A_53 = arith.constant 0.000000e+00 : f32
    %broadcast_in_dim3A_54 = vector.broadcast %broadcast_in_dim3A_53 : f32 to vector<16xf32>
    %swap3A_55 = arith.constant 144 : index
    %swap3A_56 = tpu.vector_load %arg7[%swap3A_55] {strides = array<i32>} : memref<640xf32, #tpu.memory_space<vmem>>, vector<16xf32>,
    %swap3A_57 = vector.shape_cast %swap3A_56 : vector<16xf32> to vector<16xf32>
    %swap3A_58 = vector.shape_cast %broadcast_in_dim3A_54 : vector<16xf32> to vector<16xf32>
    tpu.vector_store %arg7[%swap3A_55], %swap3A_58 {strides = array<i32>} : memref<640xf32, #tpu.memory_space<vmem>>, vector<16xf32>,
    %broadcast_in_dim3A_59 = arith.constant 0.000000e+00 : f32
    %broadcast_in_dim3A_60 = vector.broadcast %broadcast_in_dim3A_59 : f32 to vector<16xf32>
    %swap3A_61 = arith.constant 160 : index
    %swap3A_62 = tpu.vector_load %arg7[%swap3A_61] {strides = array<i32>} : memref<640xf32, #tpu.memory_space<vmem>>, vector<16xf32>,
    %swap3A_63 = vector.shape_cast %swap3A_62 : vector<16xf32> to vector<16xf32>
    %swap3A_64 = vector.shape_cast %broadcast_in_dim3A_60 : vector<16xf32> to vector<16xf32>
    tpu.vector_store %arg7[%swap3A_61], %swap3A_64 {strides = array<i32>} : memref<640xf32, #tpu.memory_space<vmem>>, vector<16xf32>,
    %broadcast_in_dim3A_65 = arith.constant 0.000000e+00 : f32
    %broadcast_in_dim3A_66 = vector.broadcast %broadcast_in_dim3A_65 : f32 to vector<16xf32>
    %swap3A_67 = arith.constant 176 : index
    %swap3A_68 = tpu.vector_load %arg7[%swap3A_67] {strides = array<i32>} : memref<640xf32, #tpu.memory_space<vmem>>, vector<16xf32>,
    %swap3A_69 = vector.shape_cast %swap3A_68 : vector<16xf32> to vector<16xf32>
    %swap3A_70 = vector.shape_cast %broadcast_in_dim3A_66 : vector<16xf32> to vector<16xf32>
    tpu.vector_store %arg7[%swap3A_67], %swap3A_70 {strides = array<i32>} : memref<640xf32, #tpu.memory_space<vmem>>, vector<16xf32>,
    %broadcast_in_dim3A_71 = arith.constant 0.000000e+00 : f32
    %broadcast_in_dim3A_72 = vector.broadcast %broadcast_in_dim3A_71 : f32 to vector<16xf32>
    %swap3A_73 = arith.constant 192 : index
    %swap3A_74 = tpu.vector_load %arg7[%swap3A_73] {strides = array<i32>} : memref<640xf32, #tpu.memory_space<vmem>>, vector<16xf32>,
    %swap3A_75 = vector.shape_cast %swap3A_74 : vector<16xf32> to vector<16xf32>
    %swap3A_76 = vector.shape_cast %broadcast_in_dim3A_72 : vector<16xf32> to vector<16xf32>
    tpu.vector_store %arg7[%swap3A_73], %swap3A_76 {strides = array<i32>} : memref<640xf32, #tpu.memory_space<vmem>>, vector<16xf32>,
    %broadcast_in_dim3A_77 = arith.constant 0.000000e+00 : f32
    %broadcast_in_dim3A_78 = vector.broadcast %broadcast_in_dim3A_77 : f32 to vector<16xf32>
    %swap3A_79 = arith.constant 208 : index
    %swap3A_80 = tpu.vector_load %arg7[%swap3A_79] {strides = array<i32>} : memref<640xf32, #tpu.memory_space<vmem>>, vector<16xf32>,
    %swap3A_81 = vector.shape_cast %swap3A_80 : vector<16xf32> to vector<16xf32>
    %swap3A_82 = vector.shape_cast %broadcast_in_dim3A_78 : vector<16xf32> to vector<16xf32>
    tpu.vector_store %arg7[%swap3A_79], %swap3A_82 {strides = array<i32>} : memref<640xf32, #tpu.memory_space<vmem>>, vector<16xf32>,
    %broadcast_in_dim3A_83 = arith.constant 0.000000e+00 : f32
    %broadcast_in_dim3A_84 = vector.broadcast %broadcast_in_dim3A_83 : f32 to vector<16xf32>
    %swap3A_85 = arith.constant 224 : index
    %swap3A_86 = tpu.vector_load %arg7[%swap3A_85] {strides = array<i32>} : memref<640xf32, #tpu.memory_space<vmem>>, vector<16xf32>,
    %swap3A_87 = vector.shape_cast %swap3A_86 : vector<16xf32> to vector<16xf32>
    %swap3A_88 = vector.shape_cast %broadcast_in_dim3A_84 : vector<16xf32> to vector<16xf32>
    tpu.vector_store %arg7[%swap3A_85], %swap3A_88 {strides = array<i32>} : memref<640xf32, #tpu.memory_space<vmem>>, vector<16xf32>,
    %broadcast_in_dim3A_89 = arith.constant 0.000000e+00 : f32
    %broadcast_in_dim3A_90 = vector.broadcast %broadcast_in_dim3A_89 : f32 to vector<16xf32>
    %swap3A_91 = arith.constant 240 : index
    %swap3A_92 = tpu.vector_load %arg7[%swap3A_91] {strides = array<i32>} : memref<640xf32, #tpu.memory_space<vmem>>, vector<16xf32>,
    %swap3A_93 = vector.shape_cast %swap3A_92 : vector<16xf32> to vector<16xf32>
    %swap3A_94 = vector.shape_cast %broadcast_in_dim3A_90 : vector<16xf32> to vector<16xf32>
    tpu.vector_store %arg7[%swap3A_91], %swap3A_94 {strides = array<i32>} : memref<640xf32, #tpu.memory_space<vmem>>, vector<16xf32>,
    %broadcast_in_dim3A_95 = arith.constant 0.000000e+00 : f32
    %broadcast_in_dim3A_96 = vector.broadcast %broadcast_in_dim3A_95 : f32 to vector<16xf32>
    %swap3A_97 = arith.constant 256 : index
    %swap3A_98 = tpu.vector_load %arg7[%swap3A_97] {strides = array<i32>} : memref<640xf32, #tpu.memory_space<vmem>>, vector<16xf32>,
    %swap3A_99 = vector.shape_cast %swap3A_98 : vector<16xf32> to vector<16xf32>
    %swap3A_100 = vector.shape_cast %broadcast_in_dim3A_96 : vector<16xf32> to vector<16xf32>
    tpu.vector_store %arg7[%swap3A_97], %swap3A_100 {strides = array<i32>} : memref<640xf32, #tpu.memory_space<vmem>>, vector<16xf32>,
    %broadcast_in_dim3A_101 = arith.constant 0.000000e+00 : f32
    %broadcast_in_dim3A_102 = vector.broadcast %broadcast_in_dim3A_101 : f32 to vector<16xf32>
    %swap3A_103 = arith.constant 272 : index
    %swap3A_104 = tpu.vector_load %arg7[%swap3A_103] {strides = array<i32>} : memref<640xf32, #tpu.memory_space<vmem>>, vector<16xf32>,
    %swap3A_105 = vector.shape_cast %swap3A_104 : vector<16xf32> to vector<16xf32>
    %swap3A_106 = vector.shape_cast %broadcast_in_dim3A_102 : vector<16xf32> to vector<16xf32>
    tpu.vector_store %arg7[%swap3A_103], %swap3A_106 {strides = array<i32>} : memref<640xf32, #tpu.memory_space<vmem>>, vector<16xf32>,
    %broadcast_in_dim3A_107 = arith.constant 0.000000e+00 : f32
    %broadcast_in_dim3A_108 = vector.broadcast %broadcast_in_dim3A_107 : f32 to vector<16xf32>
    %swap3A_109 = arith.constant 288 : index
    %swap3A_110 = tpu.vector_load %arg7[%swap3A_109] {strides = array<i32>} : memref<640xf32, #tpu.memory_space<vmem>>, vector<16xf32>,
    %swap3A_111 = vector.shape_cast %swap3A_110 : vector<16xf32> to vector<16xf32>
    %swap3A_112 = vector.shape_cast %broadcast_in_dim3A_108 : vector<16xf32> to vector<16xf32>
    tpu.vector_store %arg7[%swap3A_109], %swap3A_112 {strides = array<i32>} : memref<640xf32, #tpu.memory_space<vmem>>, vector<16xf32>,
    %broadcast_in_dim3A_113 = arith.constant 0.000000e+00 : f32
    %broadcast_in_dim3A_114 = vector.broadcast %broadcast_in_dim3A_113 : f32 to vector<16xf32>
    %swap3A_115 = arith.constant 304 : index
    %swap3A_116 = tpu.vector_load %arg7[%swap3A_115] {strides = array<i32>} : memref<640xf32, #tpu.memory_space<vmem>>, vector<16xf32>,
    %swap3A_117 = vector.shape_cast %swap3A_116 : vector<16xf32> to vector<16xf32>
    %swap3A_118 = vector.shape_cast %broadcast_in_dim3A_114 : vector<16xf32> to vector<16xf32>
    tpu.vector_store %arg7[%swap3A_115], %swap3A_118 {strides = array<i32>} : memref<640xf32, #tpu.memory_space<vmem>>, vector<16xf32>,
    %broadcast_in_dim3A_119 = arith.constant 0.000000e+00 : f32
    %broadcast_in_dim3A_120 = vector.broadcast %broadcast_in_dim3A_119 : f32 to vector<16xf32>
    %swap3A_121 = arith.constant 320 : index
    %swap3A_122 = tpu.vector_load %arg7[%swap3A_121] {strides = array<i32>} : memref<640xf32, #tpu.memory_space<vmem>>, vector<16xf32>,
    %swap3A_123 = vector.shape_cast %swap3A_122 : vector<16xf32> to vector<16xf32>
    %swap3A_124 = vector.shape_cast %broadcast_in_dim3A_120 : vector<16xf32> to vector<16xf32>
    tpu.vector_store %arg7[%swap3A_121], %swap3A_124 {strides = array<i32>} : memref<640xf32, #tpu.memory_space<vmem>>, vector<16xf32>,
    %broadcast_in_dim3A_125 = arith.constant 0.000000e+00 : f32
    %broadcast_in_dim3A_126 = vector.broadcast %broadcast_in_dim3A_125 : f32 to vector<16xf32>
    %swap3A_127 = arith.constant 336 : index
    %swap3A_128 = tpu.vector_load %arg7[%swap3A_127] {strides = array<i32>} : memref<640xf32, #tpu.memory_space<vmem>>, vector<16xf32>,
    %swap3A_129 = vector.shape_cast %swap3A_128 : vector<16xf32> to vector<16xf32>
    %swap3A_130 = vector.shape_cast %broadcast_in_dim3A_126 : vector<16xf32> to vector<16xf32>
    tpu.vector_store %arg7[%swap3A_127], %swap3A_130 {strides = array<i32>} : memref<640xf32, #tpu.memory_space<vmem>>, vector<16xf32>,
    %broadcast_in_dim3A_131 = arith.constant 0.000000e+00 : f32
    %broadcast_in_dim3A_132 = vector.broadcast %broadcast_in_dim3A_131 : f32 to vector<16xf32>
    %swap3A_133 = arith.constant 352 : index
    %swap3A_134 = tpu.vector_load %arg7[%swap3A_133] {strides = array<i32>} : memref<640xf32, #tpu.memory_space<vmem>>, vector<16xf32>,
    %swap3A_135 = vector.shape_cast %swap3A_134 : vector<16xf32> to vector<16xf32>
    %swap3A_136 = vector.shape_cast %broadcast_in_dim3A_132 : vector<16xf32> to vector<16xf32>
    tpu.vector_store %arg7[%swap3A_133], %swap3A_136 {strides = array<i32>} : memref<640xf32, #tpu.memory_space<vmem>>, vector<16xf32>,
    %broadcast_in_dim3A_137 = arith.constant 0.000000e+00 : f32
    %broadcast_in_dim3A_138 = vector.broadcast %broadcast_in_dim3A_137 : f32 to vector<16xf32>
    %swap3A_139 = arith.constant 368 : index
    %swap3A_140 = tpu.vector_load %arg7[%swap3A_139] {strides = array<i32>} : memref<640xf32, #tpu.memory_space<vmem>>, vector<16xf32>,
    %swap3A_141 = vector.shape_cast %swap3A_140 : vector<16xf32> to vector<16xf32>
    %swap3A_142 = vector.shape_cast %broadcast_in_dim3A_138 : vector<16xf32> to vector<16xf32>
    tpu.vector_store %arg7[%swap3A_139], %swap3A_142 {strides = array<i32>} : memref<640xf32, #tpu.memory_space<vmem>>, vector<16xf32>,
    %broadcast_in_dim3A_143 = arith.constant 0.000000e+00 : f32
    %broadcast_in_dim3A_144 = vector.broadcast %broadcast_in_dim3A_143 : f32 to vector<16xf32>
    %swap3A_145 = arith.constant 384 : index
    %swap3A_146 = tpu.vector_load %arg7[%swap3A_145] {strides = array<i32>} : memref<640xf32, #tpu.memory_space<vmem>>, vector<16xf32>,
    %swap3A_147 = vector.shape_cast %swap3A_146 : vector<16xf32> to vector<16xf32>
    %swap3A_148 = vector.shape_cast %broadcast_in_dim3A_144 : vector<16xf32> to vector<16xf32>
    tpu.vector_store %arg7[%swap3A_145], %swap3A_148 {strides = array<i32>} : memref<640xf32, #tpu.memory_space<vmem>>, vector<16xf32>,
    %broadcast_in_dim3A_149 = arith.constant 0.000000e+00 : f32
    %broadcast_in_dim3A_150 = vector.broadcast %broadcast_in_dim3A_149 : f32 to vector<16xf32>
    %swap3A_151 = arith.constant 400 : index
    %swap3A_152 = tpu.vector_load %arg7[%swap3A_151] {strides = array<i32>} : memref<640xf32, #tpu.memory_space<vmem>>, vector<16xf32>,
    %swap3A_153 = vector.shape_cast %swap3A_152 : vector<16xf32> to vector<16xf32>
    %swap3A_154 = vector.shape_cast %broadcast_in_dim3A_150 : vector<16xf32> to vector<16xf32>
    tpu.vector_store %arg7[%swap3A_151], %swap3A_154 {strides = array<i32>} : memref<640xf32, #tpu.memory_space<vmem>>, vector<16xf32>,
    %broadcast_in_dim3A_155 = arith.constant 0.000000e+00 : f32
    %broadcast_in_dim3A_156 = vector.broadcast %broadcast_in_dim3A_155 : f32 to vector<16xf32>
    %swap3A_157 = arith.constant 416 : index
    %swap3A_158 = tpu.vector_load %arg7[%swap3A_157] {strides = array<i32>} : memref<640xf32, #tpu.memory_space<vmem>>, vector<16xf32>,
    %swap3A_159 = vector.shape_cast %swap3A_158 : vector<16xf32> to vector<16xf32>
    %swap3A_160 = vector.shape_cast %broadcast_in_dim3A_156 : vector<16xf32> to vector<16xf32>
    tpu.vector_store %arg7[%swap3A_157], %swap3A_160 {strides = array<i32>} : memref<640xf32, #tpu.memory_space<vmem>>, vector<16xf32>,
    %broadcast_in_dim3A_161 = arith.constant 0.000000e+00 : f32
    %broadcast_in_dim3A_162 = vector.broadcast %broadcast_in_dim3A_161 : f32 to vector<16xf32>
    %swap3A_163 = arith.constant 432 : index
    %swap3A_164 = tpu.vector_load %arg7[%swap3A_163] {strides = array<i32>} : memref<640xf32, #tpu.memory_space<vmem>>, vector<16xf32>,
    %swap3A_165 = vector.shape_cast %swap3A_164 : vector<16xf32> to vector<16xf32>
    %swap3A_166 = vector.shape_cast %broadcast_in_dim3A_162 : vector<16xf32> to vector<16xf32>
    tpu.vector_store %arg7[%swap3A_163], %swap3A_166 {strides = array<i32>} : memref<640xf32, #tpu.memory_space<vmem>>, vector<16xf32>,
    %broadcast_in_dim3A_167 = arith.constant 0.000000e+00 : f32
    %broadcast_in_dim3A_168 = vector.broadcast %broadcast_in_dim3A_167 : f32 to vector<16xf32>
    %swap3A_169 = arith.constant 448 : index
    %swap3A_170 = tpu.vector_load %arg7[%swap3A_169] {strides = array<i32>} : memref<640xf32, #tpu.memory_space<vmem>>, vector<16xf32>,
    %swap3A_171 = vector.shape_cast %swap3A_170 : vector<16xf32> to vector<16xf32>
    %swap3A_172 = vector.shape_cast %broadcast_in_dim3A_168 : vector<16xf32> to vector<16xf32>
    tpu.vector_store %arg7[%swap3A_169], %swap3A_172 {strides = array<i32>} : memref<640xf32, #tpu.memory_space<vmem>>, vector<16xf32>,
    %broadcast_in_dim3A_173 = arith.constant 0.000000e+00 : f32
    %broadcast_in_dim3A_174 = vector.broadcast %broadcast_in_dim3A_173 : f32 to vector<16xf32>
    %swap3A_175 = arith.constant 464 : index
    %swap3A_176 = tpu.vector_load %arg7[%swap3A_175] {strides = array<i32>} : memref<640xf32, #tpu.memory_space<vmem>>, vector<16xf32>,
    %swap3A_177 = vector.shape_cast %swap3A_176 : vector<16xf32> to vector<16xf32>
    %swap3A_178 = vector.shape_cast %broadcast_in_dim3A_174 : vector<16xf32> to vector<16xf32>
    tpu.vector_store %arg7[%swap3A_175], %swap3A_178 {strides = array<i32>} : memref<640xf32, #tpu.memory_space<vmem>>, vector<16xf32>,
    %broadcast_in_dim3A_179 = arith.constant 0.000000e+00 : f32
    %broadcast_in_dim3A_180 = vector.broadcast %broadcast_in_dim3A_179 : f32 to vector<16xf32>
    %swap3A_181 = arith.constant 480 : index
    %swap3A_182 = tpu.vector_load %arg7[%swap3A_181] {strides = array<i32>} : memref<640xf32, #tpu.memory_space<vmem>>, vector<16xf32>,
    %swap3A_183 = vector.shape_cast %swap3A_182 : vector<16xf32> to vector<16xf32>
    %swap3A_184 = vector.shape_cast %broadcast_in_dim3A_180 : vector<16xf32> to vector<16xf32>
    tpu.vector_store %arg7[%swap3A_181], %swap3A_184 {strides = array<i32>} : memref<640xf32, #tpu.memory_space<vmem>>, vector<16xf32>,
    %broadcast_in_dim3A_185 = arith.constant 0.000000e+00 : f32
    %broadcast_in_dim3A_186 = vector.broadcast %broadcast_in_dim3A_185 : f32 to vector<16xf32>
    %swap3A_187 = arith.constant 496 : index
    %swap3A_188 = tpu.vector_load %arg7[%swap3A_187] {strides = array<i32>} : memref<640xf32, #tpu.memory_space<vmem>>, vector<16xf32>,
    %swap3A_189 = vector.shape_cast %swap3A_188 : vector<16xf32> to vector<16xf32>
    %swap3A_190 = vector.shape_cast %broadcast_in_dim3A_186 : vector<16xf32> to vector<16xf32>
    tpu.vector_store %arg7[%swap3A_187], %swap3A_190 {strides = array<i32>} : memref<640xf32, #tpu.memory_space<vmem>>, vector<16xf32>,
    %broadcast_in_dim3A_191 = arith.constant 0.000000e+00 : f32
    %broadcast_in_dim3A_192 = vector.broadcast %broadcast_in_dim3A_191 : f32 to vector<16xf32>
    %swap3A_193 = arith.constant 512 : index
    %swap3A_194 = tpu.vector_load %arg7[%swap3A_193] {strides = array<i32>} : memref<640xf32, #tpu.memory_space<vmem>>, vector<16xf32>,
    %swap3A_195 = vector.shape_cast %swap3A_194 : vector<16xf32> to vector<16xf32>
    %swap3A_196 = vector.shape_cast %broadcast_in_dim3A_192 : vector<16xf32> to vector<16xf32>
    tpu.vector_store %arg7[%swap3A_193], %swap3A_196 {strides = array<i32>} : memref<640xf32, #tpu.memory_space<vmem>>, vector<16xf32>,
    %broadcast_in_dim3A_197 = arith.constant 0.000000e+00 : f32
    %broadcast_in_dim3A_198 = vector.broadcast %broadcast_in_dim3A_197 : f32 to vector<16xf32>
    %swap3A_199 = arith.constant 528 : index
    %swap3A_200 = tpu.vector_load %arg7[%swap3A_199] {strides = array<i32>} : memref<640xf32, #tpu.memory_space<vmem>>, vector<16xf32>,
    %swap3A_201 = vector.shape_cast %swap3A_200 : vector<16xf32> to vector<16xf32>
    %swap3A_202 = vector.shape_cast %broadcast_in_dim3A_198 : vector<16xf32> to vector<16xf32>
    tpu.vector_store %arg7[%swap3A_199], %swap3A_202 {strides = array<i32>} : memref<640xf32, #tpu.memory_space<vmem>>, vector<16xf32>,
    %broadcast_in_dim3A_203 = arith.constant 0.000000e+00 : f32
    %broadcast_in_dim3A_204 = vector.broadcast %broadcast_in_dim3A_203 : f32 to vector<16xf32>
    %swap3A_205 = arith.constant 544 : index
    %swap3A_206 = tpu.vector_load %arg7[%swap3A_205] {strides = array<i32>} : memref<640xf32, #tpu.memory_space<vmem>>, vector<16xf32>,
    %swap3A_207 = vector.shape_cast %swap3A_206 : vector<16xf32> to vector<16xf32>
    %swap3A_208 = vector.shape_cast %broadcast_in_dim3A_204 : vector<16xf32> to vector<16xf32>
    tpu.vector_store %arg7[%swap3A_205], %swap3A_208 {strides = array<i32>} : memref<640xf32, #tpu.memory_space<vmem>>, vector<16xf32>,
    %broadcast_in_dim3A_209 = arith.constant 0.000000e+00 : f32
    %broadcast_in_dim3A_210 = vector.broadcast %broadcast_in_dim3A_209 : f32 to vector<16xf32>
    %swap3A_211 = arith.constant 560 : index
    %swap3A_212 = tpu.vector_load %arg7[%swap3A_211] {strides = array<i32>} : memref<640xf32, #tpu.memory_space<vmem>>, vector<16xf32>,
    %swap3A_213 = vector.shape_cast %swap3A_212 : vector<16xf32> to vector<16xf32>
    %swap3A_214 = vector.shape_cast %broadcast_in_dim3A_210 : vector<16xf32> to vector<16xf32>
    tpu.vector_store %arg7[%swap3A_211], %swap3A_214 {strides = array<i32>} : memref<640xf32, #tpu.memory_space<vmem>>, vector<16xf32>,
    %broadcast_in_dim3A_215 = arith.constant 0.000000e+00 : f32
    %broadcast_in_dim3A_216 = vector.broadcast %broadcast_in_dim3A_215 : f32 to vector<16xf32>
    %swap3A_217 = arith.constant 576 : index
    %swap3A_218 = tpu.vector_load %arg7[%swap3A_217] {strides = array<i32>} : memref<640xf32, #tpu.memory_space<vmem>>, vector<16xf32>,
    %swap3A_219 = vector.shape_cast %swap3A_218 : vector<16xf32> to vector<16xf32>
    %swap3A_220 = vector.shape_cast %broadcast_in_dim3A_216 : vector<16xf32> to vector<16xf32>
    tpu.vector_store %arg7[%swap3A_217], %swap3A_220 {strides = array<i32>} : memref<640xf32, #tpu.memory_space<vmem>>, vector<16xf32>,
    %broadcast_in_dim3A_221 = arith.constant 0.000000e+00 : f32
    %broadcast_in_dim3A_222 = vector.broadcast %broadcast_in_dim3A_221 : f32 to vector<16xf32>
    %swap3A_223 = arith.constant 592 : index
    %swap3A_224 = tpu.vector_load %arg7[%swap3A_223] {strides = array<i32>} : memref<640xf32, #tpu.memory_space<vmem>>, vector<16xf32>,
    %swap3A_225 = vector.shape_cast %swap3A_224 : vector<16xf32> to vector<16xf32>
    %swap3A_226 = vector.shape_cast %broadcast_in_dim3A_222 : vector<16xf32> to vector<16xf32>
    tpu.vector_store %arg7[%swap3A_223], %swap3A_226 {strides = array<i32>} : memref<640xf32, #tpu.memory_space<vmem>>, vector<16xf32>,
    %broadcast_in_dim3A_227 = arith.constant 0.000000e+00 : f32
    %broadcast_in_dim3A_228 = vector.broadcast %broadcast_in_dim3A_227 : f32 to vector<16xf32>
    %swap3A_229 = arith.constant 608 : index
    %swap3A_230 = tpu.vector_load %arg7[%swap3A_229] {strides = array<i32>} : memref<640xf32, #tpu.memory_space<vmem>>, vector<16xf32>,
    %swap3A_231 = vector.shape_cast %swap3A_230 : vector<16xf32> to vector<16xf32>
    %swap3A_232 = vector.shape_cast %broadcast_in_dim3A_228 : vector<16xf32> to vector<16xf32>
    tpu.vector_store %arg7[%swap3A_229], %swap3A_232 {strides = array<i32>} : memref<640xf32, #tpu.memory_space<vmem>>, vector<16xf32>,
    %broadcast_in_dim3A_233 = arith.constant 0.000000e+00 : f32
    %broadcast_in_dim3A_234 = vector.broadcast %broadcast_in_dim3A_233 : f32 to vector<16xf32>
    %swap3A_235 = arith.constant 624 : index
    %swap3A_236 = tpu.vector_load %arg7[%swap3A_235] {strides = array<i32>} : memref<640xf32, #tpu.memory_space<vmem>>, vector<16xf32>,
    %swap3A_237 = vector.shape_cast %swap3A_236 : vector<16xf32> to vector<16xf32>
    %swap3A_238 = vector.shape_cast %broadcast_in_dim3A_234 : vector<16xf32> to vector<16xf32>
    tpu.vector_store %arg7[%swap3A_235], %swap3A_238 {strides = array<i32>} : memref<640xf32, #tpu.memory_space<vmem>>, vector<16xf32>,
    %mul3A_239 = arith.constant 640 : i32
    %mul3A_240 = arith.muli %arg1, %mul3A_239 : i32
    "tpu.region"() ({
      %run_scoped3A = tpu.sem_alloc : memref<!tpu.dma_semaphore, #tpu.memory_space<semaphore_mem>>
      %dma_start3A = tpu.memref_slice %arg8[%mul3A_240] : memref<10240xf32, #tpu.memory_space<vmem_shared>> -> memref<640xf32, #tpu.memory_space<vmem_shared>>
      %dma_start3A_253 = tpu.memref_slice %arg8[%mul3A_240] : memref<10240xf32, #tpu.memory_space<vmem_shared>> -> memref<640xf32, #tpu.memory_space<vmem_shared>>
      tpu.enqueue_dma source(%arg7 : memref<640xf32, #tpu.memory_space<vmem>>) target(%dma_start3A_253 : memref<640xf32, #tpu.memory_space<vmem_shared>>) target_semaphore(%run_scoped3A : memref<!tpu.dma_semaphore, #tpu.memory_space<semaphore_mem>>)
      %dma_wait3A = tpu.memref_slice %arg8[%mul3A_240] : memref<10240xf32, #tpu.memory_space<vmem_shared>> -> memref<640xf32, #tpu.memory_space<vmem_shared>>
      %dma_wait3A_254 = tpu.memref_slice %arg8[%mul3A_240] : memref<10240xf32, #tpu.memory_space<vmem_shared>> -> memref<640xf32, #tpu.memory_space<vmem_shared>>
      tpu.wait_dma2 semaphore(%run_scoped3A : memref<!tpu.dma_semaphore, #tpu.memory_space<semaphore_mem>>) src(%arg7 : memref<640xf32, #tpu.memory_space<vmem>>) dst(%dma_wait3A_254 : memref<640xf32, #tpu.memory_space<vmem_shared>>)
      tpu.yield
    }) : () -> ()
    %barrier3A = arith.constant 0 : index
    tpu.barrier barrier_id(%barrier3A)
    %mul3A_241 = arith.constant 40 : i32
    %mul3A_242 = arith.muli %add3A, %mul3A_241 : i32
    "tpu.region"() ({
      %run_scoped3A = tpu.sem_alloc : memref<!tpu.dma_semaphore, #tpu.memory_space<semaphore_mem>>
      %dma_start3A = arith.constant 0 : i32
      %dma_start3A_253 = tpu.memref_slice %arg2[%mul3A_242, %dma_start3A] : memref<1280x128xf32, #tpu.memory_space<hbm>> -> memref<40x128xf32, #tpu.memory_space<hbm>>
      %dma_start3A_254 = arith.constant 0 : i32
      %dma_start3A_255 = tpu.memref_slice %arg2[%mul3A_242, %dma_start3A_254] : memref<1280x128xf32, #tpu.memory_space<hbm>> -> memref<40x128xf32, #tpu.memory_space<hbm>>
      tpu.enqueue_dma source(%dma_start3A_255 : memref<40x128xf32, #tpu.memory_space<hbm>>) target(%arg5 : memref<40x128xf32, #tpu.memory_space<vmem>>) target_semaphore(%run_scoped3A : memref<!tpu.dma_semaphore, #tpu.memory_space<semaphore_mem>>)
      %dma_wait3A = arith.constant 0 : i32
      %dma_wait3A_256 = tpu.memref_slice %arg2[%mul3A_242, %dma_wait3A] : memref<1280x128xf32, #tpu.memory_space<hbm>> -> memref<40x128xf32, #tpu.memory_space<hbm>>
      %dma_wait3A_257 = arith.constant 0 : i32
      %dma_wait3A_258 = tpu.memref_slice %arg2[%mul3A_242, %dma_wait3A_257] : memref<1280x128xf32, #tpu.memory_space<hbm>> -> memref<40x128xf32, #tpu.memory_space<hbm>>
      tpu.wait_dma2 semaphore(%run_scoped3A : memref<!tpu.dma_semaphore, #tpu.memory_space<semaphore_mem>>) src(%dma_wait3A_258 : memref<40x128xf32, #tpu.memory_space<hbm>>) dst(%arg5 : memref<40x128xf32, #tpu.memory_space<vmem>>)
      tpu.yield
    }) : () -> ()
    %mul3A_243 = arith.constant 40 : i32
    %mul3A_244 = arith.muli %add3A, %mul3A_243 : i32
    "tpu.region"() ({
      %run_scoped3A = tpu.sem_alloc : memref<!tpu.dma_semaphore, #tpu.memory_space<semaphore_mem>>
      %dma_start3A = arith.constant 0 : i32
      %dma_start3A_253 = tpu.memref_slice %arg3[%mul3A_244, %dma_start3A] : memref<1280x128xi32, #tpu.memory_space<hbm>> -> memref<40x128xi32, #tpu.memory_space<hbm>>
      %dma_start3A_254 = arith.constant 0 : i32
      %dma_start3A_255 = tpu.memref_slice %arg3[%mul3A_244, %dma_start3A_254] : memref<1280x128xi32, #tpu.memory_space<hbm>> -> memref<40x128xi32, #tpu.memory_space<hbm>>
      tpu.enqueue_dma source(%dma_start3A_255 : memref<40x128xi32, #tpu.memory_space<hbm>>) target(%arg6 : memref<40x128xi32, #tpu.memory_space<vmem>>) target_semaphore(%run_scoped3A : memref<!tpu.dma_semaphore, #tpu.memory_space<semaphore_mem>>)
      %dma_wait3A = arith.constant 0 : i32
      %dma_wait3A_256 = tpu.memref_slice %arg3[%mul3A_244, %dma_wait3A] : memref<1280x128xi32, #tpu.memory_space<hbm>> -> memref<40x128xi32, #tpu.memory_space<hbm>>
      %dma_wait3A_257 = arith.constant 0 : i32
      %dma_wait3A_258 = tpu.memref_slice %arg3[%mul3A_244, %dma_wait3A_257] : memref<1280x128xi32, #tpu.memory_space<hbm>> -> memref<40x128xi32, #tpu.memory_space<hbm>>
      tpu.wait_dma2 semaphore(%run_scoped3A : memref<!tpu.dma_semaphore, #tpu.memory_space<semaphore_mem>>) src(%dma_wait3A_258 : memref<40x128xi32, #tpu.memory_space<hbm>>) dst(%arg6 : memref<40x128xi32, #tpu.memory_space<vmem>>)
      tpu.yield
    }) : () -> ()
    %scan3A = arith.constant 0 : i32
    %scan3A_245 = arith.constant 0 : i32
    %scan3A_246 = arith.constant 40 : i32
    %scan3A_247 = arith.addi %scan3A_245, %scan3A_246 : i32
    %scan3A_248 = arith.constant 1 : i32
    scf.for %scan3A_253 = %scan3A_245 to %scan3A_247 step %scan3A_248  : i32 {
      "tpu.region"() ({
        %run_scoped3A = tpu.sem_alloc : memref<!tpu.dma_semaphore, #tpu.memory_space<semaphore_mem>>
        %dma_start3A = arith.constant 0 : i32
        %dma_start3A_254 = tpu.memref_slice %arg5[%scan3A_253, %dma_start3A] : memref<40x128xf32, #tpu.memory_space<vmem>> -> memref<1x128xf32, #tpu.memory_space<vmem>>
        %dma_start3A_255 = tpu.memref_squeeze %dma_start3A_254 : memref<1x128xf32, #tpu.memory_space<vmem>> -> memref<128xf32, #tpu.memory_space<vmem>>
        %dma_start3A_256 = arith.constant 0 : i32
        %dma_start3A_257 = tpu.memref_slice %arg6[%scan3A_253, %dma_start3A_256] : memref<40x128xi32, #tpu.memory_space<vmem>> -> memref<1x128xi32, #tpu.memory_space<vmem>>
        %dma_start3A_258 = tpu.memref_squeeze %dma_start3A_257 : memref<1x128xi32, #tpu.memory_space<vmem>> -> memref<128xi32, #tpu.memory_space<vmem>>
        %dma_start3A_259 = arith.constant 0 : i32
        %dma_start3A_260 = tpu.memref_slice %arg8[%dma_start3A_259] : memref<10240xf32, #tpu.memory_space<vmem_shared>> -> memref<10240xf32, #tpu.memory_space<vmem_shared>>
        tpu.enqueue_indirect_dma source(%dma_start3A_255 : memref<128xf32, #tpu.memory_space<vmem>>) target(%dma_start3A_260 : memref<10240xf32, #tpu.memory_space<vmem_shared>>) offsets(%dma_start3A_258 : memref<128xi32, #tpu.memory_space<vmem>>) semaphore(%run_scoped3A : memref<!tpu.dma_semaphore, #tpu.memory_space<semaphore_mem>>) {add = true}
        %dma_wait3A = arith.constant 0 : i32
        %dma_wait3A_261 = tpu.memref_slice %arg5[%scan3A_253, %dma_wait3A] : memref<40x128xf32, #tpu.memory_space<vmem>> -> memref<1x128xf32, #tpu.memory_space<vmem>>
        %dma_wait3A_262 = tpu.memref_squeeze %dma_wait3A_261 : memref<1x128xf32, #tpu.memory_space<vmem>> -> memref<128xf32, #tpu.memory_space<vmem>>
        %dma_wait3A_263 = arith.constant 0 : i32
        %dma_wait3A_264 = tpu.memref_slice %arg6[%scan3A_253, %dma_wait3A_263] : memref<40x128xi32, #tpu.memory_space<vmem>> -> memref<1x128xi32, #tpu.memory_space<vmem>>
        %dma_wait3A_265 = tpu.memref_squeeze %dma_wait3A_264 : memref<1x128xi32, #tpu.memory_space<vmem>> -> memref<128xi32, #tpu.memory_space<vmem>>
        %dma_wait3A_266 = arith.constant 0 : i32
        %dma_wait3A_267 = tpu.memref_slice %arg8[%dma_wait3A_266] : memref<10240xf32, #tpu.memory_space<vmem_shared>> -> memref<10240xf32, #tpu.memory_space<vmem_shared>>
        tpu.wait_indirect_dma semaphore(%run_scoped3A : memref<!tpu.dma_semaphore, #tpu.memory_space<semaphore_mem>>) src(%dma_wait3A_262 : memref<128xf32, #tpu.memory_space<vmem>>) dst(%dma_wait3A_267 : memref<10240xf32, #tpu.memory_space<vmem_shared>>)
        tpu.yield
      }) : () -> ()
    }
    %scan3A_249 = arith.constant 40 : i32
    %barrier3A_250 = arith.constant 0 : index
    tpu.barrier barrier_id(%barrier3A_250)
    %eq3A = arith.constant 0 : i32
    %eq3A_251 = arith.cmpi eq, %arg1, %eq3A : i32
    %convert_element_type3A = arith.extui %eq3A_251 : i1 to i32
    %cond3A = arith.constant 0 : i32
    %cond3A_252 = arith.cmpi ne, %convert_element_type3A, %cond3A : i32
    scf.if %cond3A_252 {
      "tpu.region"() ({
        %run_scoped3A = tpu.sem_alloc : memref<!tpu.dma_semaphore, #tpu.memory_space<semaphore_mem>>
        %dma_start3A = arith.constant 0 : i32
        %dma_start3A_253 = tpu.memref_slice %arg4[%arg0, %dma_start3A] : memref<2x10240xf32, #tpu.memory_space<hbm>> -> memref<1x10240xf32, #tpu.memory_space<hbm>>
        %dma_start3A_254 = tpu.memref_squeeze %dma_start3A_253 : memref<1x10240xf32, #tpu.memory_space<hbm>> -> memref<10240xf32, #tpu.memory_space<hbm>>
        tpu.enqueue_dma source(%arg8 : memref<10240xf32, #tpu.memory_space<vmem_shared>>) target(%dma_start3A_254 : memref<10240xf32, #tpu.memory_space<hbm>>) target_semaphore(%run_scoped3A : memref<!tpu.dma_semaphore, #tpu.memory_space<semaphore_mem>>)
        %dma_wait3A = arith.constant 0 : i32
        %dma_wait3A_255 = tpu.memref_slice %arg4[%arg0, %dma_wait3A] : memref<2x10240xf32, #tpu.memory_space<hbm>> -> memref<1x10240xf32, #tpu.memory_space<hbm>>
        %dma_wait3A_256 = tpu.memref_squeeze %dma_wait3A_255 : memref<1x10240xf32, #tpu.memory_space<hbm>> -> memref<10240xf32, #tpu.memory_space<hbm>>
        tpu.wait_dma2 semaphore(%run_scoped3A : memref<!tpu.dma_semaphore, #tpu.memory_space<semaphore_mem>>) src(%arg8 : memref<10240xf32, #tpu.memory_space<vmem_shared>>) dst(%dma_wait3A_256 : memref<10240xf32, #tpu.memory_space<hbm>>)
        tpu.yield
      }) : () -> ()
    } else {
    }
    return
  }
}

module attributes {stable_mosaic.version = 14 : i64} {
  func.func @_pool_body(%arg0: i32, %arg1: memref<2048x256xf32, #tpu.memory_space<vmem>>, %arg2: memref<1x1x2048xf32, #tpu.memory_space<vmem>>, %arg3: memref<1x1x2048xi32, #tpu.memory_space<vmem>>, %arg4: memref<1x256xf32, #tpu.memory_space<vmem>>, %arg5: memref<1x2xf32, #tpu.memory_space<smem>>, %arg6: memref<10240x256xf32, #tpu.memory_space<vmem>>, %arg7: memref<1x1x2048xf32, #tpu.memory_space<vmem>>) attributes {dimension_semantics = [#tpu.dimension_semantics<arbitrary>], iteration_bounds = array<i64: 80>, scalar_prefetch = 0 : i64, scratch_operands = 0 : i64, tpu.core_type = #tpu.core_type<tc>, window_params = [{transform_indices = @transform_0, window_bounds = array<i64: 2048, 256>}, {transform_indices = @transform_1, window_bounds = array<i64: 1, 1, 2048>}, {transform_indices = @transform_2, window_bounds = array<i64: 1, 1, 2048>}, {pipeline_mode = #tpu.pipeline_mode<synchronous>, transform_indices = @transform_3, window_bounds = array<i64: 1, 256>}, {transform_indices = @transform_4, window_bounds = array<i64: 1, 2>}, {pipeline_mode = #tpu.pipeline_mode<synchronous>, transform_indices = @transform_5, window_bounds = array<i64: 10240, 256>}, {transform_indices = @transform_6, window_bounds = array<i64: 1, 1, 2048>}]} {
    %eq3A = arith.constant 0 : i32
    %eq3A_0 = arith.cmpi eq, %arg0, %eq3A : i32
    %convert_element_type3A = arith.extui %eq3A_0 : i1 to i32
    %cond3A = arith.constant 0 : i32
    %cond3A_1 = arith.cmpi ne, %convert_element_type3A, %cond3A : i32
    scf.if %cond3A_1 {
      %broadcast_in_dim3A_78 = arith.constant 0.000000e+00 : f32
      %broadcast_in_dim3A_79 = vector.broadcast %broadcast_in_dim3A_78 : f32 to vector<10240x256xf32>
      %swap3A_80 = arith.constant 0 : index
      %swap3A_81 = arith.constant 0 : index
      %swap3A_82 = vector.load %arg6[%swap3A_80, %swap3A_81] : memref<10240x256xf32, #tpu.memory_space<vmem>>, vector<10240x256xf32>
      tpu.vector_store %arg6[%swap3A_80, %swap3A_81], %broadcast_in_dim3A_79 {strides = array<i32>} : memref<10240x256xf32, #tpu.memory_space<vmem>>, vector<10240x256xf32>,
    } else {
    }
    %get3A = arith.constant 0 : index
    %get3A_2 = arith.constant 0 : index
    %get3A_3 = memref.load %arg5[%get3A, %get3A_2] : memref<1x2xf32, #tpu.memory_space<smem>>
    %get3A_4 = arith.constant 0 : index
    %get3A_5 = arith.constant 1 : index
    %get3A_6 = memref.load %arg5[%get3A_4, %get3A_5] : memref<1x2xf32, #tpu.memory_space<smem>>
    %get3A_7 = arith.constant 0 : index
    %get3A_8 = arith.constant 0 : index
    %get3A_9 = vector.load %arg4[%get3A_7, %get3A_8] : memref<1x256xf32, #tpu.memory_space<vmem>>, vector<1x256xf32>
    %get3A_10 = arith.constant 0 : index
    %get3A_11 = arith.constant 0 : index
    %get3A_12 = vector.load %arg1[%get3A_10, %get3A_11] : memref<2048x256xf32, #tpu.memory_space<vmem>>, vector<2048x256xf32>
    %dot_general3A = arith.constant dense<0.000000e+00> : vector<1x2048xf32>
    %dot_general3A_13 = tpu.matmul %get3A_9, %get3A_12, %dot_general3A {dimension_numbers = #tpu.dot_dimension_numbers<[1], [1], [0], [0], [0, 0, 1, 0], [], []>, transpose_lhs_hint = false} : vector<1x256xf32>, vector<2048x256xf32>, vector<1x2048xf32> -> vector<1x2048xf32>
    %mul3A = arith.constant 2048 : i32
    %mul3A_14 = arith.muli %arg0, %mul3A : i32
    %iota3A = tpu.iota {dimensions = array<i32: 1>} : vector<1x2048xi32>
    %add3A = vector.broadcast %mul3A_14 : i32 to vector<1x2048xi32>
    %add3A_15 = arith.addi %add3A, %iota3A : vector<1x2048xi32>
    %lt3A = arith.constant 160000 : i32
    %lt3A_16 = vector.broadcast %lt3A : i32 to vector<1x2048xi32>
    %lt3A_17 = arith.cmpi slt, %add3A_15, %lt3A_16 : vector<1x2048xi32>
    %get3A_18 = arith.constant 0 : index
    %get3A_19 = arith.constant 0 : index
    %get3A_20 = arith.constant 0 : index
    %get3A_21 = vector.load %arg2[%get3A_18, %get3A_19, %get3A_20] : memref<1x1x2048xf32, #tpu.memory_space<vmem>>, vector<1x1x2048xf32>
    %get3A_22 = vector.shape_cast %get3A_21 : vector<1x1x2048xf32> to vector<1x2048xf32>
    %pow3A = vector.broadcast %get3A_6 : f32 to vector<1x2048xf32>
    %pow3A_23 = math.powf %get3A_22, %pow3A : vector<1x2048xf32>
    %add3A_24 = vector.broadcast %get3A_3 : f32 to vector<1x2048xf32>
    %add3A_25 = arith.addf %dot_general3A_13, %add3A_24 : vector<1x2048xf32>
    %exp3A = math.exp %add3A_25 : vector<1x2048xf32>
    %mul3A_26 = arith.mulf %pow3A_23, %exp3A : vector<1x2048xf32>
    %jit3A = arith.constant 0.000000e+00 : f32
    %broadcast_in_dim3A = vector.broadcast %jit3A : f32 to vector<1x2048xf32>
    %select_n3A = arith.select %lt3A_17, %mul3A_26, %broadcast_in_dim3A : vector<1x2048xi1>, vector<1x2048xf32>
    %swap3A = arith.constant 0 : index
    %swap3A_27 = arith.constant 0 : index
    %swap3A_28 = arith.constant 0 : index
    %swap3A_29 = vector.load %arg7[%swap3A, %swap3A_27, %swap3A_28] : memref<1x1x2048xf32, #tpu.memory_space<vmem>>, vector<1x1x2048xf32>
    %swap3A_30 = vector.shape_cast %swap3A_29 : vector<1x1x2048xf32> to vector<1x2048xf32>
    %swap3A_31 = vector.shape_cast %select_n3A : vector<1x2048xf32> to vector<1x1x2048xf32>
    tpu.vector_store %arg7[%swap3A, %swap3A_27, %swap3A_28], %swap3A_31 {strides = array<i32>} : memref<1x1x2048xf32, #tpu.memory_space<vmem>>, vector<1x1x2048xf32>,
    %get3A_32 = arith.constant 0 : index
    %get3A_33 = arith.constant 0 : index
    %get3A_34 = arith.constant 0 : index
    %get3A_35 = vector.load %arg3[%get3A_32, %get3A_33, %get3A_34] : memref<1x1x2048xi32, #tpu.memory_space<vmem>>, vector<1x1x2048xi32>
    %get3A_36 = vector.shape_cast %get3A_35 : vector<1x1x2048xi32> to vector<1x2048xi32>
    %mul3A_37 = arith.constant 2048 : i32
    %mul3A_38 = arith.muli %arg0, %mul3A_37 : i32
    %iota3A_39 = tpu.iota {dimensions = array<i32: 0>} : vector<2048x1xi32>
    %add3A_40 = vector.broadcast %mul3A_38 : i32 to vector<2048x1xi32>
    %add3A_41 = arith.addi %add3A_40, %iota3A_39 : vector<2048x1xi32>
    %lt3A_42 = arith.constant 160000 : i32
    %lt3A_43 = vector.broadcast %lt3A_42 : i32 to vector<2048x1xi32>
    %lt3A_44 = arith.cmpi slt, %add3A_41, %lt3A_43 : vector<2048x1xi32>
    %get3A_45 = arith.constant 0 : index
    %get3A_46 = arith.constant 0 : index
    %get3A_47 = vector.load %arg1[%get3A_45, %get3A_46] : memref<2048x256xf32, #tpu.memory_space<vmem>>, vector<2048x256xf32>
    %jit3A_48 = arith.constant 0.000000e+00 : f32
    %broadcast_in_dim3A_49 = vector.shape_cast %lt3A_44 : vector<2048x1xi1> to vector<2048x1xi1>
    %broadcast_in_dim3A_50 = vector.broadcast %broadcast_in_dim3A_49 : vector<2048x1xi1> to vector<2048x256xi1>
    %broadcast_in_dim3A_51 = vector.broadcast %jit3A_48 : f32 to vector<2048x256xf32>
    %select_n3A_52 = arith.select %broadcast_in_dim3A_50, %get3A_47, %broadcast_in_dim3A_51 : vector<2048x256xi1>, vector<2048x256xf32>
    %convert_element_type3A_53 = arith.truncf %select_n3A_52 : vector<2048x256xf32> to vector<2048x256xbf16>
    %reduce_min3A = vector.shape_cast %get3A_36 : vector<1x2048xi32> to vector<1x1x2048xi32>
    %reduce_min3A_54 = arith.constant dense<2147483647> : vector<1xi32>
    %reduce_min3A_55 = vector.multi_reduction <minsi>, %reduce_min3A, %reduce_min3A_54 [1, 2] : vector<1x1x2048xi32> to vector<1xi32>
    %reduce_min3A_56 = vector.shape_cast %reduce_min3A_55 : vector<1xi32> to vector<1x1x1xi32>
    %reduce_min3A_57 = vector.extract %reduce_min3A_56[0, 0, 0] : i32 from vector<1x1x1xi32>
    %jit3A_58 = arith.constant 8 : i32
    %div3A = arith.divsi %reduce_min3A_57, %jit3A_58 : i32
    %sign3A = arith.constant 0 : i32
    %sign3A_59 = arith.cmpi sgt, %reduce_min3A_57, %sign3A : i32
    %sign3A_60 = arith.extui %sign3A_59 : i1 to i32
    %sign3A_61 = arith.constant 0 : i32
    %sign3A_62 = arith.cmpi slt, %reduce_min3A_57, %sign3A_61 : i32
    %sign3A_63 = arith.extui %sign3A_62 : i1 to i32
    %sign3A_64 = arith.subi %sign3A_60, %sign3A_63 : i32
    %sign3A_65 = arith.constant 0 : i32
    %sign3A_66 = arith.cmpi sgt, %jit3A_58, %sign3A_65 : i32
    %sign3A_67 = arith.extui %sign3A_66 : i1 to i32
    %sign3A_68 = arith.constant 0 : i32
    %sign3A_69 = arith.cmpi slt, %jit3A_58, %sign3A_68 : i32
    %sign3A_70 = arith.extui %sign3A_69 : i1 to i32
    %sign3A_71 = arith.subi %sign3A_67, %sign3A_70 : i32
    %ne3A = arith.cmpi ne, %sign3A_64, %sign3A_71 : i32
    %rem3A = arith.remsi %reduce_min3A_57, %jit3A_58 : i32
    %ne3A_72 = arith.constant 0 : i32
    %ne3A_73 = arith.cmpi ne, %rem3A, %ne3A_72 : i32
    %and3A = arith.andi %ne3A, %ne3A_73 : i1
    %sub3A = arith.constant 1 : i32
    %sub3A_74 = arith.subi %div3A, %sub3A : i32
    %select_n3A_75 = arith.select %and3A, %sub3A_74, %div3A : i32
    %mul3A_76 = arith.constant 8 : i32
    %mul3A_77 = arith.muli %select_n3A_75, %mul3A_76 : i32
    %while3A = scf.while (%while3A_78 = %mul3A_77) : (i32) -> i32 {
      %lt3A_79 = arith.constant 16384 : i32
      %lt3A_80 = arith.cmpi slt, %while3A_78, %lt3A_79 : i32
      scf.condition(%lt3A_80) %while3A_78 : i32
    } do {
    ^bb0(%while3A_78: i32):
      %iota3A_79 = tpu.iota {dimensions = array<i32: 0>} : vector<192x2048xi32>
      %sub3A_80 = vector.broadcast %while3A_78 : i32 to vector<1x2048xi32>
      %sub3A_81 = arith.subi %get3A_36, %sub3A_80 : vector<1x2048xi32>
      %eq3A_82 = vector.broadcast %sub3A_81 : vector<1x2048xi32> to vector<192x2048xi32>
      %eq3A_83 = arith.cmpi eq, %eq3A_82, %iota3A_79 : vector<192x2048xi32>
      %jit3A_84 = arith.constant 0.000000e+00 : f32
      %broadcast_in_dim3A_85 = vector.shape_cast %select_n3A : vector<1x2048xf32> to vector<1x2048xf32>
      %broadcast_in_dim3A_86 = vector.broadcast %broadcast_in_dim3A_85 : vector<1x2048xf32> to vector<192x2048xf32>
      %broadcast_in_dim3A_87 = vector.broadcast %jit3A_84 : f32 to vector<192x2048xf32>
      %select_n3A_88 = arith.select %eq3A_83, %broadcast_in_dim3A_86, %broadcast_in_dim3A_87 : vector<192x2048xi1>, vector<192x2048xf32>
      %convert_element_type3A_89 = arith.truncf %select_n3A_88 : vector<192x2048xf32> to vector<192x2048xbf16>
      %dot_general3A_90 = arith.constant dense<0.000000e+00> : vector<192x256xf32>
      %dot_general3A_91 = tpu.matmul %convert_element_type3A_89, %convert_element_type3A_53, %dot_general3A_90 {dimension_numbers = #tpu.dot_dimension_numbers<[1], [0], [0], [1], [0, 0, 1, 1], [], []>, transpose_lhs_hint = false} : vector<192x2048xbf16>, vector<2048x256xbf16>, vector<192x256xf32> -> vector<192x256xf32>
      %multiple_of3A = tpu.assume_multiple %while3A_78, 8 : i32
      %get3A_92 = arith.index_cast %multiple_of3A : i32 to index
      %get3A_93 = arith.constant 0 : index
      %get3A_94 = vector.load %arg6[%get3A_92, %get3A_93] : memref<10240x256xf32, #tpu.memory_space<vmem>>, vector<192x256xf32>
      %add3A_95 = arith.addf %get3A_94, %dot_general3A_91 : vector<192x256xf32>
      %swap3A_96 = arith.index_cast %multiple_of3A : i32 to index
      %swap3A_97 = arith.constant 0 : index
      %swap3A_98 = vector.load %arg6[%swap3A_96, %swap3A_97] : memref<10240x256xf32, #tpu.memory_space<vmem>>, vector<192x256xf32>
      tpu.vector_store %arg6[%swap3A_96, %swap3A_97], %add3A_95 {strides = array<i32>} : memref<10240x256xf32, #tpu.memory_space<vmem>>, vector<192x256xf32>,
      %add3A_99 = arith.constant 192 : i32
      %add3A_100 = arith.addi %while3A_78, %add3A_99 : i32
      %ge3A = vector.broadcast %add3A_100 : i32 to vector<1x2048xi32>
      %ge3A_101 = arith.cmpi sge, %get3A_36, %ge3A : vector<1x2048xi32>
      %jit3A_102 = arith.constant 16777216 : i32
      %broadcast_in_dim3A_103 = vector.broadcast %jit3A_102 : i32 to vector<1x2048xi32>
      %select_n3A_104 = arith.select %ge3A_101, %get3A_36, %broadcast_in_dim3A_103 : vector<1x2048xi1>, vector<1x2048xi32>
      %reduce_min3A_105 = vector.shape_cast %select_n3A_104 : vector<1x2048xi32> to vector<1x1x2048xi32>
      %reduce_min3A_106 = arith.constant dense<2147483647> : vector<1xi32>
      %reduce_min3A_107 = vector.multi_reduction <minsi>, %reduce_min3A_105, %reduce_min3A_106 [1, 2] : vector<1x1x2048xi32> to vector<1xi32>
      %reduce_min3A_108 = vector.shape_cast %reduce_min3A_107 : vector<1xi32> to vector<1x1x1xi32>
      %reduce_min3A_109 = vector.extract %reduce_min3A_108[0, 0, 0] : i32 from vector<1x1x1xi32>
      %jit3A_110 = arith.constant 8 : i32
      %div3A_111 = arith.divsi %reduce_min3A_109, %jit3A_110 : i32
      %sign3A_112 = arith.constant 0 : i32
      %sign3A_113 = arith.cmpi sgt, %reduce_min3A_109, %sign3A_112 : i32
      %sign3A_114 = arith.extui %sign3A_113 : i1 to i32
      %sign3A_115 = arith.constant 0 : i32
      %sign3A_116 = arith.cmpi slt, %reduce_min3A_109, %sign3A_115 : i32
      %sign3A_117 = arith.extui %sign3A_116 : i1 to i32
      %sign3A_118 = arith.subi %sign3A_114, %sign3A_117 : i32
      %sign3A_119 = arith.constant 0 : i32
      %sign3A_120 = arith.cmpi sgt, %jit3A_110, %sign3A_119 : i32
      %sign3A_121 = arith.extui %sign3A_120 : i1 to i32
      %sign3A_122 = arith.constant 0 : i32
      %sign3A_123 = arith.cmpi slt, %jit3A_110, %sign3A_122 : i32
      %sign3A_124 = arith.extui %sign3A_123 : i1 to i32
      %sign3A_125 = arith.subi %sign3A_121, %sign3A_124 : i32
      %ne3A_126 = arith.cmpi ne, %sign3A_118, %sign3A_125 : i32
      %rem3A_127 = arith.remsi %reduce_min3A_109, %jit3A_110 : i32
      %ne3A_128 = arith.constant 0 : i32
      %ne3A_129 = arith.cmpi ne, %rem3A_127, %ne3A_128 : i32
      %and3A_130 = arith.andi %ne3A_126, %ne3A_129 : i1
      %sub3A_131 = arith.constant 1 : i32
      %sub3A_132 = arith.subi %div3A_111, %sub3A_131 : i32
      %select_n3A_133 = arith.select %and3A_130, %sub3A_132, %div3A_111 : i32
      %mul3A_134 = arith.constant 8 : i32
      %mul3A_135 = arith.muli %select_n3A_133, %mul3A_134 : i32
      scf.yield %mul3A_135 : i32
    }
    return
  }
  func.func @transform_0(%arg0: i32) -> (i32, i32) {
    %min3A = arith.constant 78 : i32
    %min3A_0 = arith.minsi %arg0, %min3A : i32
    %c0_i32 = arith.constant 0 : i32
    %c0_i32_1 = arith.constant 0 : i32
    return %min3A_0, %c0_i32 : i32, i32
  }
  func.func @transform_1(%arg0: i32) -> (i32, i32, i32) {
    %c0_i32 = arith.constant 0 : i32
    %c0_i32_0 = arith.constant 0 : i32
    %c0_i32_1 = arith.constant 0 : i32
    return %arg0, %c0_i32, %c0_i32_0 : i32, i32, i32
  }
  func.func @transform_2(%arg0: i32) -> (i32, i32, i32) {
    %c0_i32 = arith.constant 0 : i32
    %c0_i32_0 = arith.constant 0 : i32
    %c0_i32_1 = arith.constant 0 : i32
    return %arg0, %c0_i32, %c0_i32_0 : i32, i32, i32
  }
  func.func @transform_3(%arg0: i32) -> (i32, i32) {
    %c0_i32 = arith.constant 0 : i32
    %c0_i32_0 = arith.constant 0 : i32
    %c0_i32_1 = arith.constant 0 : i32
    return %c0_i32, %c0_i32_0 : i32, i32
  }
  func.func @transform_4(%arg0: i32) -> (i32, i32) {
    %c0_i32 = arith.constant 0 : i32
    %c0_i32_0 = arith.constant 0 : i32
    %c0_i32_1 = arith.constant 0 : i32
    return %c0_i32, %c0_i32_0 : i32, i32
  }
  func.func @transform_5(%arg0: i32) -> (i32, i32) {
    %c0_i32 = arith.constant 0 : i32
    %c0_i32_0 = arith.constant 0 : i32
    %c0_i32_1 = arith.constant 0 : i32
    return %c0_i32, %c0_i32_0 : i32, i32
  }
  func.func @transform_6(%arg0: i32) -> (i32, i32, i32) {
    %c0_i32 = arith.constant 0 : i32
    %c0_i32_0 = arith.constant 0 : i32
    %c0_i32_1 = arith.constant 0 : i32
    return %arg0, %c0_i32, %c0_i32_0 : i32, i32, i32
  }
}

module attributes {stable_mosaic.version = 14 : i64} {
  func.func @_norm_mm_body(%arg0: memref<10240x256xf32, #tpu.memory_space<vmem>>, %arg1: memref<2x10240xf32, #tpu.memory_space<vmem>>, %arg2: memref<128x128xf32, #tpu.memory_space<vmem>>, %arg3: memref<256x256xf32, #tpu.memory_space<vmem>>, %arg4: memref<1x256xf32, #tpu.memory_space<vmem>>, %arg5: memref<10000x256xf32, #tpu.memory_space<vmem>>, %arg6: memref<10240x1xf32, #tpu.memory_space<vmem>>) attributes {dimension_semantics = [], scalar_prefetch = 0 : i64, scratch_operands = 1 : i64, tpu.core_type = #tpu.core_type<tc>} {
    %get3A = arith.constant 0 : index
    %get3A_0 = arith.constant 0 : index
    %get3A_1 = vector.load %arg1[%get3A, %get3A_0] : memref<2x10240xf32, #tpu.memory_space<vmem>>, vector<1x10240xf32>
    %get3A_2 = arith.constant 1 : index
    %get3A_3 = arith.constant 0 : index
    %get3A_4 = vector.load %arg1[%get3A_2, %get3A_3] : memref<2x10240xf32, #tpu.memory_space<vmem>>, vector<1x10240xf32>
    %add3A = arith.addf %get3A_1, %get3A_4 : vector<1x10240xf32>
    %slice3A = vector.extract_strided_slice %add3A {offsets = [0, 0], sizes = [1, 128], strides = [1, 1]} : vector<1x10240xf32> to vector<1x128xf32>
    %get3A_5 = arith.constant 0 : index
    %get3A_6 = arith.constant 0 : index
    %get3A_7 = vector.load %arg2[%get3A_5, %get3A_6] : memref<128x128xf32, #tpu.memory_space<vmem>>, vector<128x128xf32>
    %dot_general3A = arith.constant dense<0.000000e+00> : vector<128x1xf32>
    %dot_general3A_8 = tpu.matmul %get3A_7, %slice3A, %dot_general3A {dimension_numbers = #tpu.dot_dimension_numbers<[1], [1], [0], [0], [0, 0, 1, 0], [], []>, transpose_lhs_hint = false} : vector<128x128xf32>, vector<1x128xf32>, vector<128x1xf32> -> vector<128x1xf32>
    %swap3A = arith.constant 0 : index
    %swap3A_9 = arith.constant 0 : index
    %swap3A_10 = vector.load %arg6[%swap3A, %swap3A_9] : memref<10240x1xf32, #tpu.memory_space<vmem>>, vector<128x1xf32>
    tpu.vector_store %arg6[%swap3A, %swap3A_9], %dot_general3A_8 {strides = array<i32>} : memref<10240x1xf32, #tpu.memory_space<vmem>>, vector<128x1xf32>,
    %slice3A_11 = vector.extract_strided_slice %add3A {offsets = [0, 128], sizes = [1, 128], strides = [1, 1]} : vector<1x10240xf32> to vector<1x128xf32>
    %get3A_12 = arith.constant 0 : index
    %get3A_13 = arith.constant 0 : index
    %get3A_14 = vector.load %arg2[%get3A_12, %get3A_13] : memref<128x128xf32, #tpu.memory_space<vmem>>, vector<128x128xf32>
    %dot_general3A_15 = arith.constant dense<0.000000e+00> : vector<128x1xf32>
    %dot_general3A_16 = tpu.matmul %get3A_14, %slice3A_11, %dot_general3A_15 {dimension_numbers = #tpu.dot_dimension_numbers<[1], [1], [0], [0], [0, 0, 1, 0], [], []>, transpose_lhs_hint = false} : vector<128x128xf32>, vector<1x128xf32>, vector<128x1xf32> -> vector<128x1xf32>
    %swap3A_17 = arith.constant 128 : index
    %swap3A_18 = arith.constant 0 : index
    %swap3A_19 = vector.load %arg6[%swap3A_17, %swap3A_18] : memref<10240x1xf32, #tpu.memory_space<vmem>>, vector<128x1xf32>
    tpu.vector_store %arg6[%swap3A_17, %swap3A_18], %dot_general3A_16 {strides = array<i32>} : memref<10240x1xf32, #tpu.memory_space<vmem>>, vector<128x1xf32>,
    %slice3A_20 = vector.extract_strided_slice %add3A {offsets = [0, 256], sizes = [1, 128], strides = [1, 1]} : vector<1x10240xf32> to vector<1x128xf32>
    %get3A_21 = arith.constant 0 : index
    %get3A_22 = arith.constant 0 : index
    %get3A_23 = vector.load %arg2[%get3A_21, %get3A_22] : memref<128x128xf32, #tpu.memory_space<vmem>>, vector<128x128xf32>
    %dot_general3A_24 = arith.constant dense<0.000000e+00> : vector<128x1xf32>
    %dot_general3A_25 = tpu.matmul %get3A_23, %slice3A_20, %dot_general3A_24 {dimension_numbers = #tpu.dot_dimension_numbers<[1], [1], [0], [0], [0, 0, 1, 0], [], []>, transpose_lhs_hint = false} : vector<128x128xf32>, vector<1x128xf32>, vector<128x1xf32> -> vector<128x1xf32>
    %swap3A_26 = arith.constant 256 : index
    %swap3A_27 = arith.constant 0 : index
    %swap3A_28 = vector.load %arg6[%swap3A_26, %swap3A_27] : memref<10240x1xf32, #tpu.memory_space<vmem>>, vector<128x1xf32>
    tpu.vector_store %arg6[%swap3A_26, %swap3A_27], %dot_general3A_25 {strides = array<i32>} : memref<10240x1xf32, #tpu.memory_space<vmem>>, vector<128x1xf32>,
    %slice3A_29 = vector.extract_strided_slice %add3A {offsets = [0, 384], sizes = [1, 128], strides = [1, 1]} : vector<1x10240xf32> to vector<1x128xf32>
    %get3A_30 = arith.constant 0 : index
    %get3A_31 = arith.constant 0 : index
    %get3A_32 = vector.load %arg2[%get3A_30, %get3A_31] : memref<128x128xf32, #tpu.memory_space<vmem>>, vector<128x128xf32>
    %dot_general3A_33 = arith.constant dense<0.000000e+00> : vector<128x1xf32>
    %dot_general3A_34 = tpu.matmul %get3A_32, %slice3A_29, %dot_general3A_33 {dimension_numbers = #tpu.dot_dimension_numbers<[1], [1], [0], [0], [0, 0, 1, 0], [], []>, transpose_lhs_hint = false} : vector<128x128xf32>, vector<1x128xf32>, vector<128x1xf32> -> vector<128x1xf32>
    %swap3A_35 = arith.constant 384 : index
    %swap3A_36 = arith.constant 0 : index
    %swap3A_37 = vector.load %arg6[%swap3A_35, %swap3A_36] : memref<10240x1xf32, #tpu.memory_space<vmem>>, vector<128x1xf32>
    tpu.vector_store %arg6[%swap3A_35, %swap3A_36], %dot_general3A_34 {strides = array<i32>} : memref<10240x1xf32, #tpu.memory_space<vmem>>, vector<128x1xf32>,
    %slice3A_38 = vector.extract_strided_slice %add3A {offsets = [0, 512], sizes = [1, 128], strides = [1, 1]} : vector<1x10240xf32> to vector<1x128xf32>
    %get3A_39 = arith.constant 0 : index
    %get3A_40 = arith.constant 0 : index
    %get3A_41 = vector.load %arg2[%get3A_39, %get3A_40] : memref<128x128xf32, #tpu.memory_space<vmem>>, vector<128x128xf32>
    %dot_general3A_42 = arith.constant dense<0.000000e+00> : vector<128x1xf32>
    %dot_general3A_43 = tpu.matmul %get3A_41, %slice3A_38, %dot_general3A_42 {dimension_numbers = #tpu.dot_dimension_numbers<[1], [1], [0], [0], [0, 0, 1, 0], [], []>, transpose_lhs_hint = false} : vector<128x128xf32>, vector<1x128xf32>, vector<128x1xf32> -> vector<128x1xf32>
    %swap3A_44 = arith.constant 512 : index
    %swap3A_45 = arith.constant 0 : index
    %swap3A_46 = vector.load %arg6[%swap3A_44, %swap3A_45] : memref<10240x1xf32, #tpu.memory_space<vmem>>, vector<128x1xf32>
    tpu.vector_store %arg6[%swap3A_44, %swap3A_45], %dot_general3A_43 {strides = array<i32>} : memref<10240x1xf32, #tpu.memory_space<vmem>>, vector<128x1xf32>,
    %slice3A_47 = vector.extract_strided_slice %add3A {offsets = [0, 640], sizes = [1, 128], strides = [1, 1]} : vector<1x10240xf32> to vector<1x128xf32>
    %get3A_48 = arith.constant 0 : index
    %get3A_49 = arith.constant 0 : index
    %get3A_50 = vector.load %arg2[%get3A_48, %get3A_49] : memref<128x128xf32, #tpu.memory_space<vmem>>, vector<128x128xf32>
    %dot_general3A_51 = arith.constant dense<0.000000e+00> : vector<128x1xf32>
    %dot_general3A_52 = tpu.matmul %get3A_50, %slice3A_47, %dot_general3A_51 {dimension_numbers = #tpu.dot_dimension_numbers<[1], [1], [0], [0], [0, 0, 1, 0], [], []>, transpose_lhs_hint = false} : vector<128x128xf32>, vector<1x128xf32>, vector<128x1xf32> -> vector<128x1xf32>
    %swap3A_53 = arith.constant 640 : index
    %swap3A_54 = arith.constant 0 : index
    %swap3A_55 = vector.load %arg6[%swap3A_53, %swap3A_54] : memref<10240x1xf32, #tpu.memory_space<vmem>>, vector<128x1xf32>
    tpu.vector_store %arg6[%swap3A_53, %swap3A_54], %dot_general3A_52 {strides = array<i32>} : memref<10240x1xf32, #tpu.memory_space<vmem>>, vector<128x1xf32>,
    %slice3A_56 = vector.extract_strided_slice %add3A {offsets = [0, 768], sizes = [1, 128], strides = [1, 1]} : vector<1x10240xf32> to vector<1x128xf32>
    %get3A_57 = arith.constant 0 : index
    %get3A_58 = arith.constant 0 : index
    %get3A_59 = vector.load %arg2[%get3A_57, %get3A_58] : memref<128x128xf32, #tpu.memory_space<vmem>>, vector<128x128xf32>
    %dot_general3A_60 = arith.constant dense<0.000000e+00> : vector<128x1xf32>
    %dot_general3A_61 = tpu.matmul %get3A_59, %slice3A_56, %dot_general3A_60 {dimension_numbers = #tpu.dot_dimension_numbers<[1], [1], [0], [0], [0, 0, 1, 0], [], []>, transpose_lhs_hint = false} : vector<128x128xf32>, vector<1x128xf32>, vector<128x1xf32> -> vector<128x1xf32>
    %swap3A_62 = arith.constant 768 : index
    %swap3A_63 = arith.constant 0 : index
    %swap3A_64 = vector.load %arg6[%swap3A_62, %swap3A_63] : memref<10240x1xf32, #tpu.memory_space<vmem>>, vector<128x1xf32>
    tpu.vector_store %arg6[%swap3A_62, %swap3A_63], %dot_general3A_61 {strides = array<i32>} : memref<10240x1xf32, #tpu.memory_space<vmem>>, vector<128x1xf32>,
    %slice3A_65 = vector.extract_strided_slice %add3A {offsets = [0, 896], sizes = [1, 128], strides = [1, 1]} : vector<1x10240xf32> to vector<1x128xf32>
    %get3A_66 = arith.constant 0 : index
    %get3A_67 = arith.constant 0 : index
    %get3A_68 = vector.load %arg2[%get3A_66, %get3A_67] : memref<128x128xf32, #tpu.memory_space<vmem>>, vector<128x128xf32>
    %dot_general3A_69 = arith.constant dense<0.000000e+00> : vector<128x1xf32>
    %dot_general3A_70 = tpu.matmul %get3A_68, %slice3A_65, %dot_general3A_69 {dimension_numbers = #tpu.dot_dimension_numbers<[1], [1], [0], [0], [0, 0, 1, 0], [], []>, transpose_lhs_hint = false} : vector<128x128xf32>, vector<1x128xf32>, vector<128x1xf32> -> vector<128x1xf32>
    %swap3A_71 = arith.constant 896 : index
    %swap3A_72 = arith.constant 0 : index
    %swap3A_73 = vector.load %arg6[%swap3A_71, %swap3A_72] : memref<10240x1xf32, #tpu.memory_space<vmem>>, vector<128x1xf32>
    tpu.vector_store %arg6[%swap3A_71, %swap3A_72], %dot_general3A_70 {strides = array<i32>} : memref<10240x1xf32, #tpu.memory_space<vmem>>, vector<128x1xf32>,
    %slice3A_74 = vector.extract_strided_slice %add3A {offsets = [0, 1024], sizes = [1, 128], strides = [1, 1]} : vector<1x10240xf32> to vector<1x128xf32>
    %get3A_75 = arith.constant 0 : index
    %get3A_76 = arith.constant 0 : index
    %get3A_77 = vector.load %arg2[%get3A_75, %get3A_76] : memref<128x128xf32, #tpu.memory_space<vmem>>, vector<128x128xf32>
    %dot_general3A_78 = arith.constant dense<0.000000e+00> : vector<128x1xf32>
    %dot_general3A_79 = tpu.matmul %get3A_77, %slice3A_74, %dot_general3A_78 {dimension_numbers = #tpu.dot_dimension_numbers<[1], [1], [0], [0], [0, 0, 1, 0], [], []>, transpose_lhs_hint = false} : vector<128x128xf32>, vector<1x128xf32>, vector<128x1xf32> -> vector<128x1xf32>
    %swap3A_80 = arith.constant 1024 : index
    %swap3A_81 = arith.constant 0 : index
    %swap3A_82 = vector.load %arg6[%swap3A_80, %swap3A_81] : memref<10240x1xf32, #tpu.memory_space<vmem>>, vector<128x1xf32>
    tpu.vector_store %arg6[%swap3A_80, %swap3A_81], %dot_general3A_79 {strides = array<i32>} : memref<10240x1xf32, #tpu.memory_space<vmem>>, vector<128x1xf32>,
    %slice3A_83 = vector.extract_strided_slice %add3A {offsets = [0, 1152], sizes = [1, 128], strides = [1, 1]} : vector<1x10240xf32> to vector<1x128xf32>
    %get3A_84 = arith.constant 0 : index
    %get3A_85 = arith.constant 0 : index
    %get3A_86 = vector.load %arg2[%get3A_84, %get3A_85] : memref<128x128xf32, #tpu.memory_space<vmem>>, vector<128x128xf32>
    %dot_general3A_87 = arith.constant dense<0.000000e+00> : vector<128x1xf32>
    %dot_general3A_88 = tpu.matmul %get3A_86, %slice3A_83, %dot_general3A_87 {dimension_numbers = #tpu.dot_dimension_numbers<[1], [1], [0], [0], [0, 0, 1, 0], [], []>, transpose_lhs_hint = false} : vector<128x128xf32>, vector<1x128xf32>, vector<128x1xf32> -> vector<128x1xf32>
    %swap3A_89 = arith.constant 1152 : index
    %swap3A_90 = arith.constant 0 : index
    %swap3A_91 = vector.load %arg6[%swap3A_89, %swap3A_90] : memref<10240x1xf32, #tpu.memory_space<vmem>>, vector<128x1xf32>
    tpu.vector_store %arg6[%swap3A_89, %swap3A_90], %dot_general3A_88 {strides = array<i32>} : memref<10240x1xf32, #tpu.memory_space<vmem>>, vector<128x1xf32>,
    %slice3A_92 = vector.extract_strided_slice %add3A {offsets = [0, 1280], sizes = [1, 128], strides = [1, 1]} : vector<1x10240xf32> to vector<1x128xf32>
    %get3A_93 = arith.constant 0 : index
    %get3A_94 = arith.constant 0 : index
    %get3A_95 = vector.load %arg2[%get3A_93, %get3A_94] : memref<128x128xf32, #tpu.memory_space<vmem>>, vector<128x128xf32>
    %dot_general3A_96 = arith.constant dense<0.000000e+00> : vector<128x1xf32>
    %dot_general3A_97 = tpu.matmul %get3A_95, %slice3A_92, %dot_general3A_96 {dimension_numbers = #tpu.dot_dimension_numbers<[1], [1], [0], [0], [0, 0, 1, 0], [], []>, transpose_lhs_hint = false} : vector<128x128xf32>, vector<1x128xf32>, vector<128x1xf32> -> vector<128x1xf32>
    %swap3A_98 = arith.constant 1280 : index
    %swap3A_99 = arith.constant 0 : index
    %swap3A_100 = vector.load %arg6[%swap3A_98, %swap3A_99] : memref<10240x1xf32, #tpu.memory_space<vmem>>, vector<128x1xf32>
    tpu.vector_store %arg6[%swap3A_98, %swap3A_99], %dot_general3A_97 {strides = array<i32>} : memref<10240x1xf32, #tpu.memory_space<vmem>>, vector<128x1xf32>,
    %slice3A_101 = vector.extract_strided_slice %add3A {offsets = [0, 1408], sizes = [1, 128], strides = [1, 1]} : vector<1x10240xf32> to vector<1x128xf32>
    %get3A_102 = arith.constant 0 : index
    %get3A_103 = arith.constant 0 : index
    %get3A_104 = vector.load %arg2[%get3A_102, %get3A_103] : memref<128x128xf32, #tpu.memory_space<vmem>>, vector<128x128xf32>
    %dot_general3A_105 = arith.constant dense<0.000000e+00> : vector<128x1xf32>
    %dot_general3A_106 = tpu.matmul %get3A_104, %slice3A_101, %dot_general3A_105 {dimension_numbers = #tpu.dot_dimension_numbers<[1], [1], [0], [0], [0, 0, 1, 0], [], []>, transpose_lhs_hint = false} : vector<128x128xf32>, vector<1x128xf32>, vector<128x1xf32> -> vector<128x1xf32>
    %swap3A_107 = arith.constant 1408 : index
    %swap3A_108 = arith.constant 0 : index
    %swap3A_109 = vector.load %arg6[%swap3A_107, %swap3A_108] : memref<10240x1xf32, #tpu.memory_space<vmem>>, vector<128x1xf32>
    tpu.vector_store %arg6[%swap3A_107, %swap3A_108], %dot_general3A_106 {strides = array<i32>} : memref<10240x1xf32, #tpu.memory_space<vmem>>, vector<128x1xf32>,
    %slice3A_110 = vector.extract_strided_slice %add3A {offsets = [0, 1536], sizes = [1, 128], strides = [1, 1]} : vector<1x10240xf32> to vector<1x128xf32>
    %get3A_111 = arith.constant 0 : index
    %get3A_112 = arith.constant 0 : index
    %get3A_113 = vector.load %arg2[%get3A_111, %get3A_112] : memref<128x128xf32, #tpu.memory_space<vmem>>, vector<128x128xf32>
    %dot_general3A_114 = arith.constant dense<0.000000e+00> : vector<128x1xf32>
    %dot_general3A_115 = tpu.matmul %get3A_113, %slice3A_110, %dot_general3A_114 {dimension_numbers = #tpu.dot_dimension_numbers<[1], [1], [0], [0], [0, 0, 1, 0], [], []>, transpose_lhs_hint = false} : vector<128x128xf32>, vector<1x128xf32>, vector<128x1xf32> -> vector<128x1xf32>
    %swap3A_116 = arith.constant 1536 : index
    %swap3A_117 = arith.constant 0 : index
    %swap3A_118 = vector.load %arg6[%swap3A_116, %swap3A_117] : memref<10240x1xf32, #tpu.memory_space<vmem>>, vector<128x1xf32>
    tpu.vector_store %arg6[%swap3A_116, %swap3A_117], %dot_general3A_115 {strides = array<i32>} : memref<10240x1xf32, #tpu.memory_space<vmem>>, vector<128x1xf32>,
    %slice3A_119 = vector.extract_strided_slice %add3A {offsets = [0, 1664], sizes = [1, 128], strides = [1, 1]} : vector<1x10240xf32> to vector<1x128xf32>
    %get3A_120 = arith.constant 0 : index
    %get3A_121 = arith.constant 0 : index
    %get3A_122 = vector.load %arg2[%get3A_120, %get3A_121] : memref<128x128xf32, #tpu.memory_space<vmem>>, vector<128x128xf32>
    %dot_general3A_123 = arith.constant dense<0.000000e+00> : vector<128x1xf32>
    %dot_general3A_124 = tpu.matmul %get3A_122, %slice3A_119, %dot_general3A_123 {dimension_numbers = #tpu.dot_dimension_numbers<[1], [1], [0], [0], [0, 0, 1, 0], [], []>, transpose_lhs_hint = false} : vector<128x128xf32>, vector<1x128xf32>, vector<128x1xf32> -> vector<128x1xf32>
    %swap3A_125 = arith.constant 1664 : index
    %swap3A_126 = arith.constant 0 : index
    %swap3A_127 = vector.load %arg6[%swap3A_125, %swap3A_126] : memref<10240x1xf32, #tpu.memory_space<vmem>>, vector<128x1xf32>
    tpu.vector_store %arg6[%swap3A_125, %swap3A_126], %dot_general3A_124 {strides = array<i32>} : memref<10240x1xf32, #tpu.memory_space<vmem>>, vector<128x1xf32>,
    %slice3A_128 = vector.extract_strided_slice %add3A {offsets = [0, 1792], sizes = [1, 128], strides = [1, 1]} : vector<1x10240xf32> to vector<1x128xf32>
    %get3A_129 = arith.constant 0 : index
    %get3A_130 = arith.constant 0 : index
    %get3A_131 = vector.load %arg2[%get3A_129, %get3A_130] : memref<128x128xf32, #tpu.memory_space<vmem>>, vector<128x128xf32>
    %dot_general3A_132 = arith.constant dense<0.000000e+00> : vector<128x1xf32>
    %dot_general3A_133 = tpu.matmul %get3A_131, %slice3A_128, %dot_general3A_132 {dimension_numbers = #tpu.dot_dimension_numbers<[1], [1], [0], [0], [0, 0, 1, 0], [], []>, transpose_lhs_hint = false} : vector<128x128xf32>, vector<1x128xf32>, vector<128x1xf32> -> vector<128x1xf32>
    %swap3A_134 = arith.constant 1792 : index
    %swap3A_135 = arith.constant 0 : index
    %swap3A_136 = vector.load %arg6[%swap3A_134, %swap3A_135] : memref<10240x1xf32, #tpu.memory_space<vmem>>, vector<128x1xf32>
    tpu.vector_store %arg6[%swap3A_134, %swap3A_135], %dot_general3A_133 {strides = array<i32>} : memref<10240x1xf32, #tpu.memory_space<vmem>>, vector<128x1xf32>,
    %slice3A_137 = vector.extract_strided_slice %add3A {offsets = [0, 1920], sizes = [1, 128], strides = [1, 1]} : vector<1x10240xf32> to vector<1x128xf32>
    %get3A_138 = arith.constant 0 : index
    %get3A_139 = arith.constant 0 : index
    %get3A_140 = vector.load %arg2[%get3A_138, %get3A_139] : memref<128x128xf32, #tpu.memory_space<vmem>>, vector<128x128xf32>
    %dot_general3A_141 = arith.constant dense<0.000000e+00> : vector<128x1xf32>
    %dot_general3A_142 = tpu.matmul %get3A_140, %slice3A_137, %dot_general3A_141 {dimension_numbers = #tpu.dot_dimension_numbers<[1], [1], [0], [0], [0, 0, 1, 0], [], []>, transpose_lhs_hint = false} : vector<128x128xf32>, vector<1x128xf32>, vector<128x1xf32> -> vector<128x1xf32>
    %swap3A_143 = arith.constant 1920 : index
    %swap3A_144 = arith.constant 0 : index
    %swap3A_145 = vector.load %arg6[%swap3A_143, %swap3A_144] : memref<10240x1xf32, #tpu.memory_space<vmem>>, vector<128x1xf32>
    tpu.vector_store %arg6[%swap3A_143, %swap3A_144], %dot_general3A_142 {strides = array<i32>} : memref<10240x1xf32, #tpu.memory_space<vmem>>, vector<128x1xf32>,
    %slice3A_146 = vector.extract_strided_slice %add3A {offsets = [0, 2048], sizes = [1, 128], strides = [1, 1]} : vector<1x10240xf32> to vector<1x128xf32>
    %get3A_147 = arith.constant 0 : index
    %get3A_148 = arith.constant 0 : index
    %get3A_149 = vector.load %arg2[%get3A_147, %get3A_148] : memref<128x128xf32, #tpu.memory_space<vmem>>, vector<128x128xf32>
    %dot_general3A_150 = arith.constant dense<0.000000e+00> : vector<128x1xf32>
    %dot_general3A_151 = tpu.matmul %get3A_149, %slice3A_146, %dot_general3A_150 {dimension_numbers = #tpu.dot_dimension_numbers<[1], [1], [0], [0], [0, 0, 1, 0], [], []>, transpose_lhs_hint = false} : vector<128x128xf32>, vector<1x128xf32>, vector<128x1xf32> -> vector<128x1xf32>
    %swap3A_152 = arith.constant 2048 : index
    %swap3A_153 = arith.constant 0 : index
    %swap3A_154 = vector.load %arg6[%swap3A_152, %swap3A_153] : memref<10240x1xf32, #tpu.memory_space<vmem>>, vector<128x1xf32>
    tpu.vector_store %arg6[%swap3A_152, %swap3A_153], %dot_general3A_151 {strides = array<i32>} : memref<10240x1xf32, #tpu.memory_space<vmem>>, vector<128x1xf32>,
    %slice3A_155 = vector.extract_strided_slice %add3A {offsets = [0, 2176], sizes = [1, 128], strides = [1, 1]} : vector<1x10240xf32> to vector<1x128xf32>
    %get3A_156 = arith.constant 0 : index
    %get3A_157 = arith.constant 0 : index
    %get3A_158 = vector.load %arg2[%get3A_156, %get3A_157] : memref<128x128xf32, #tpu.memory_space<vmem>>, vector<128x128xf32>
    %dot_general3A_159 = arith.constant dense<0.000000e+00> : vector<128x1xf32>
    %dot_general3A_160 = tpu.matmul %get3A_158, %slice3A_155, %dot_general3A_159 {dimension_numbers = #tpu.dot_dimension_numbers<[1], [1], [0], [0], [0, 0, 1, 0], [], []>, transpose_lhs_hint = false} : vector<128x128xf32>, vector<1x128xf32>, vector<128x1xf32> -> vector<128x1xf32>
    %swap3A_161 = arith.constant 2176 : index
    %swap3A_162 = arith.constant 0 : index
    %swap3A_163 = vector.load %arg6[%swap3A_161, %swap3A_162] : memref<10240x1xf32, #tpu.memory_space<vmem>>, vector<128x1xf32>
    tpu.vector_store %arg6[%swap3A_161, %swap3A_162], %dot_general3A_160 {strides = array<i32>} : memref<10240x1xf32, #tpu.memory_space<vmem>>, vector<128x1xf32>,
    %slice3A_164 = vector.extract_strided_slice %add3A {offsets = [0, 2304], sizes = [1, 128], strides = [1, 1]} : vector<1x10240xf32> to vector<1x128xf32>
    %get3A_165 = arith.constant 0 : index
    %get3A_166 = arith.constant 0 : index
    %get3A_167 = vector.load %arg2[%get3A_165, %get3A_166] : memref<128x128xf32, #tpu.memory_space<vmem>>, vector<128x128xf32>
    %dot_general3A_168 = arith.constant dense<0.000000e+00> : vector<128x1xf32>
    %dot_general3A_169 = tpu.matmul %get3A_167, %slice3A_164, %dot_general3A_168 {dimension_numbers = #tpu.dot_dimension_numbers<[1], [1], [0], [0], [0, 0, 1, 0], [], []>, transpose_lhs_hint = false} : vector<128x128xf32>, vector<1x128xf32>, vector<128x1xf32> -> vector<128x1xf32>
    %swap3A_170 = arith.constant 2304 : index
    %swap3A_171 = arith.constant 0 : index
    %swap3A_172 = vector.load %arg6[%swap3A_170, %swap3A_171] : memref<10240x1xf32, #tpu.memory_space<vmem>>, vector<128x1xf32>
    tpu.vector_store %arg6[%swap3A_170, %swap3A_171], %dot_general3A_169 {strides = array<i32>} : memref<10240x1xf32, #tpu.memory_space<vmem>>, vector<128x1xf32>,
    %slice3A_173 = vector.extract_strided_slice %add3A {offsets = [0, 2432], sizes = [1, 128], strides = [1, 1]} : vector<1x10240xf32> to vector<1x128xf32>
    %get3A_174 = arith.constant 0 : index
    %get3A_175 = arith.constant 0 : index
    %get3A_176 = vector.load %arg2[%get3A_174, %get3A_175] : memref<128x128xf32, #tpu.memory_space<vmem>>, vector<128x128xf32>
    %dot_general3A_177 = arith.constant dense<0.000000e+00> : vector<128x1xf32>
    %dot_general3A_178 = tpu.matmul %get3A_176, %slice3A_173, %dot_general3A_177 {dimension_numbers = #tpu.dot_dimension_numbers<[1], [1], [0], [0], [0, 0, 1, 0], [], []>, transpose_lhs_hint = false} : vector<128x128xf32>, vector<1x128xf32>, vector<128x1xf32> -> vector<128x1xf32>
    %swap3A_179 = arith.constant 2432 : index
    %swap3A_180 = arith.constant 0 : index
    %swap3A_181 = vector.load %arg6[%swap3A_179, %swap3A_180] : memref<10240x1xf32, #tpu.memory_space<vmem>>, vector<128x1xf32>
    tpu.vector_store %arg6[%swap3A_179, %swap3A_180], %dot_general3A_178 {strides = array<i32>} : memref<10240x1xf32, #tpu.memory_space<vmem>>, vector<128x1xf32>,
    %slice3A_182 = vector.extract_strided_slice %add3A {offsets = [0, 2560], sizes = [1, 128], strides = [1, 1]} : vector<1x10240xf32> to vector<1x128xf32>
    %get3A_183 = arith.constant 0 : index
    %get3A_184 = arith.constant 0 : index
    %get3A_185 = vector.load %arg2[%get3A_183, %get3A_184] : memref<128x128xf32, #tpu.memory_space<vmem>>, vector<128x128xf32>
    %dot_general3A_186 = arith.constant dense<0.000000e+00> : vector<128x1xf32>
    %dot_general3A_187 = tpu.matmul %get3A_185, %slice3A_182, %dot_general3A_186 {dimension_numbers = #tpu.dot_dimension_numbers<[1], [1], [0], [0], [0, 0, 1, 0], [], []>, transpose_lhs_hint = false} : vector<128x128xf32>, vector<1x128xf32>, vector<128x1xf32> -> vector<128x1xf32>
    %swap3A_188 = arith.constant 2560 : index
    %swap3A_189 = arith.constant 0 : index
    %swap3A_190 = vector.load %arg6[%swap3A_188, %swap3A_189] : memref<10240x1xf32, #tpu.memory_space<vmem>>, vector<128x1xf32>
    tpu.vector_store %arg6[%swap3A_188, %swap3A_189], %dot_general3A_187 {strides = array<i32>} : memref<10240x1xf32, #tpu.memory_space<vmem>>, vector<128x1xf32>,
    %slice3A_191 = vector.extract_strided_slice %add3A {offsets = [0, 2688], sizes = [1, 128], strides = [1, 1]} : vector<1x10240xf32> to vector<1x128xf32>
    %get3A_192 = arith.constant 0 : index
    %get3A_193 = arith.constant 0 : index
    %get3A_194 = vector.load %arg2[%get3A_192, %get3A_193] : memref<128x128xf32, #tpu.memory_space<vmem>>, vector<128x128xf32>
    %dot_general3A_195 = arith.constant dense<0.000000e+00> : vector<128x1xf32>
    %dot_general3A_196 = tpu.matmul %get3A_194, %slice3A_191, %dot_general3A_195 {dimension_numbers = #tpu.dot_dimension_numbers<[1], [1], [0], [0], [0, 0, 1, 0], [], []>, transpose_lhs_hint = false} : vector<128x128xf32>, vector<1x128xf32>, vector<128x1xf32> -> vector<128x1xf32>
    %swap3A_197 = arith.constant 2688 : index
    %swap3A_198 = arith.constant 0 : index
    %swap3A_199 = vector.load %arg6[%swap3A_197, %swap3A_198] : memref<10240x1xf32, #tpu.memory_space<vmem>>, vector<128x1xf32>
    tpu.vector_store %arg6[%swap3A_197, %swap3A_198], %dot_general3A_196 {strides = array<i32>} : memref<10240x1xf32, #tpu.memory_space<vmem>>, vector<128x1xf32>,
    %slice3A_200 = vector.extract_strided_slice %add3A {offsets = [0, 2816], sizes = [1, 128], strides = [1, 1]} : vector<1x10240xf32> to vector<1x128xf32>
    %get3A_201 = arith.constant 0 : index
    %get3A_202 = arith.constant 0 : index
    %get3A_203 = vector.load %arg2[%get3A_201, %get3A_202] : memref<128x128xf32, #tpu.memory_space<vmem>>, vector<128x128xf32>
    %dot_general3A_204 = arith.constant dense<0.000000e+00> : vector<128x1xf32>
    %dot_general3A_205 = tpu.matmul %get3A_203, %slice3A_200, %dot_general3A_204 {dimension_numbers = #tpu.dot_dimension_numbers<[1], [1], [0], [0], [0, 0, 1, 0], [], []>, transpose_lhs_hint = false} : vector<128x128xf32>, vector<1x128xf32>, vector<128x1xf32> -> vector<128x1xf32>
    %swap3A_206 = arith.constant 2816 : index
    %swap3A_207 = arith.constant 0 : index
    %swap3A_208 = vector.load %arg6[%swap3A_206, %swap3A_207] : memref<10240x1xf32, #tpu.memory_space<vmem>>, vector<128x1xf32>
    tpu.vector_store %arg6[%swap3A_206, %swap3A_207], %dot_general3A_205 {strides = array<i32>} : memref<10240x1xf32, #tpu.memory_space<vmem>>, vector<128x1xf32>,
    %slice3A_209 = vector.extract_strided_slice %add3A {offsets = [0, 2944], sizes = [1, 128], strides = [1, 1]} : vector<1x10240xf32> to vector<1x128xf32>
    %get3A_210 = arith.constant 0 : index
    %get3A_211 = arith.constant 0 : index
    %get3A_212 = vector.load %arg2[%get3A_210, %get3A_211] : memref<128x128xf32, #tpu.memory_space<vmem>>, vector<128x128xf32>
    %dot_general3A_213 = arith.constant dense<0.000000e+00> : vector<128x1xf32>
    %dot_general3A_214 = tpu.matmul %get3A_212, %slice3A_209, %dot_general3A_213 {dimension_numbers = #tpu.dot_dimension_numbers<[1], [1], [0], [0], [0, 0, 1, 0], [], []>, transpose_lhs_hint = false} : vector<128x128xf32>, vector<1x128xf32>, vector<128x1xf32> -> vector<128x1xf32>
    %swap3A_215 = arith.constant 2944 : index
    %swap3A_216 = arith.constant 0 : index
    %swap3A_217 = vector.load %arg6[%swap3A_215, %swap3A_216] : memref<10240x1xf32, #tpu.memory_space<vmem>>, vector<128x1xf32>
    tpu.vector_store %arg6[%swap3A_215, %swap3A_216], %dot_general3A_214 {strides = array<i32>} : memref<10240x1xf32, #tpu.memory_space<vmem>>, vector<128x1xf32>,
    %slice3A_218 = vector.extract_strided_slice %add3A {offsets = [0, 3072], sizes = [1, 128], strides = [1, 1]} : vector<1x10240xf32> to vector<1x128xf32>
    %get3A_219 = arith.constant 0 : index
    %get3A_220 = arith.constant 0 : index
    %get3A_221 = vector.load %arg2[%get3A_219, %get3A_220] : memref<128x128xf32, #tpu.memory_space<vmem>>, vector<128x128xf32>
    %dot_general3A_222 = arith.constant dense<0.000000e+00> : vector<128x1xf32>
    %dot_general3A_223 = tpu.matmul %get3A_221, %slice3A_218, %dot_general3A_222 {dimension_numbers = #tpu.dot_dimension_numbers<[1], [1], [0], [0], [0, 0, 1, 0], [], []>, transpose_lhs_hint = false} : vector<128x128xf32>, vector<1x128xf32>, vector<128x1xf32> -> vector<128x1xf32>
    %swap3A_224 = arith.constant 3072 : index
    %swap3A_225 = arith.constant 0 : index
    %swap3A_226 = vector.load %arg6[%swap3A_224, %swap3A_225] : memref<10240x1xf32, #tpu.memory_space<vmem>>, vector<128x1xf32>
    tpu.vector_store %arg6[%swap3A_224, %swap3A_225], %dot_general3A_223 {strides = array<i32>} : memref<10240x1xf32, #tpu.memory_space<vmem>>, vector<128x1xf32>,
    %slice3A_227 = vector.extract_strided_slice %add3A {offsets = [0, 3200], sizes = [1, 128], strides = [1, 1]} : vector<1x10240xf32> to vector<1x128xf32>
    %get3A_228 = arith.constant 0 : index
    %get3A_229 = arith.constant 0 : index
    %get3A_230 = vector.load %arg2[%get3A_228, %get3A_229] : memref<128x128xf32, #tpu.memory_space<vmem>>, vector<128x128xf32>
    %dot_general3A_231 = arith.constant dense<0.000000e+00> : vector<128x1xf32>
    %dot_general3A_232 = tpu.matmul %get3A_230, %slice3A_227, %dot_general3A_231 {dimension_numbers = #tpu.dot_dimension_numbers<[1], [1], [0], [0], [0, 0, 1, 0], [], []>, transpose_lhs_hint = false} : vector<128x128xf32>, vector<1x128xf32>, vector<128x1xf32> -> vector<128x1xf32>
    %swap3A_233 = arith.constant 3200 : index
    %swap3A_234 = arith.constant 0 : index
    %swap3A_235 = vector.load %arg6[%swap3A_233, %swap3A_234] : memref<10240x1xf32, #tpu.memory_space<vmem>>, vector<128x1xf32>
    tpu.vector_store %arg6[%swap3A_233, %swap3A_234], %dot_general3A_232 {strides = array<i32>} : memref<10240x1xf32, #tpu.memory_space<vmem>>, vector<128x1xf32>,
    %slice3A_236 = vector.extract_strided_slice %add3A {offsets = [0, 3328], sizes = [1, 128], strides = [1, 1]} : vector<1x10240xf32> to vector<1x128xf32>
    %get3A_237 = arith.constant 0 : index
    %get3A_238 = arith.constant 0 : index
    %get3A_239 = vector.load %arg2[%get3A_237, %get3A_238] : memref<128x128xf32, #tpu.memory_space<vmem>>, vector<128x128xf32>
    %dot_general3A_240 = arith.constant dense<0.000000e+00> : vector<128x1xf32>
    %dot_general3A_241 = tpu.matmul %get3A_239, %slice3A_236, %dot_general3A_240 {dimension_numbers = #tpu.dot_dimension_numbers<[1], [1], [0], [0], [0, 0, 1, 0], [], []>, transpose_lhs_hint = false} : vector<128x128xf32>, vector<1x128xf32>, vector<128x1xf32> -> vector<128x1xf32>
    %swap3A_242 = arith.constant 3328 : index
    %swap3A_243 = arith.constant 0 : index
    %swap3A_244 = vector.load %arg6[%swap3A_242, %swap3A_243] : memref<10240x1xf32, #tpu.memory_space<vmem>>, vector<128x1xf32>
    tpu.vector_store %arg6[%swap3A_242, %swap3A_243], %dot_general3A_241 {strides = array<i32>} : memref<10240x1xf32, #tpu.memory_space<vmem>>, vector<128x1xf32>,
    %slice3A_245 = vector.extract_strided_slice %add3A {offsets = [0, 3456], sizes = [1, 128], strides = [1, 1]} : vector<1x10240xf32> to vector<1x128xf32>
    %get3A_246 = arith.constant 0 : index
    %get3A_247 = arith.constant 0 : index
    %get3A_248 = vector.load %arg2[%get3A_246, %get3A_247] : memref<128x128xf32, #tpu.memory_space<vmem>>, vector<128x128xf32>
    %dot_general3A_249 = arith.constant dense<0.000000e+00> : vector<128x1xf32>
    %dot_general3A_250 = tpu.matmul %get3A_248, %slice3A_245, %dot_general3A_249 {dimension_numbers = #tpu.dot_dimension_numbers<[1], [1], [0], [0], [0, 0, 1, 0], [], []>, transpose_lhs_hint = false} : vector<128x128xf32>, vector<1x128xf32>, vector<128x1xf32> -> vector<128x1xf32>
    %swap3A_251 = arith.constant 3456 : index
    %swap3A_252 = arith.constant 0 : index
    %swap3A_253 = vector.load %arg6[%swap3A_251, %swap3A_252] : memref<10240x1xf32, #tpu.memory_space<vmem>>, vector<128x1xf32>
    tpu.vector_store %arg6[%swap3A_251, %swap3A_252], %dot_general3A_250 {strides = array<i32>} : memref<10240x1xf32, #tpu.memory_space<vmem>>, vector<128x1xf32>,
    %slice3A_254 = vector.extract_strided_slice %add3A {offsets = [0, 3584], sizes = [1, 128], strides = [1, 1]} : vector<1x10240xf32> to vector<1x128xf32>
    %get3A_255 = arith.constant 0 : index
    %get3A_256 = arith.constant 0 : index
    %get3A_257 = vector.load %arg2[%get3A_255, %get3A_256] : memref<128x128xf32, #tpu.memory_space<vmem>>, vector<128x128xf32>
    %dot_general3A_258 = arith.constant dense<0.000000e+00> : vector<128x1xf32>
    %dot_general3A_259 = tpu.matmul %get3A_257, %slice3A_254, %dot_general3A_258 {dimension_numbers = #tpu.dot_dimension_numbers<[1], [1], [0], [0], [0, 0, 1, 0], [], []>, transpose_lhs_hint = false} : vector<128x128xf32>, vector<1x128xf32>, vector<128x1xf32> -> vector<128x1xf32>
    %swap3A_260 = arith.constant 3584 : index
    %swap3A_261 = arith.constant 0 : index
    %swap3A_262 = vector.load %arg6[%swap3A_260, %swap3A_261] : memref<10240x1xf32, #tpu.memory_space<vmem>>, vector<128x1xf32>
    tpu.vector_store %arg6[%swap3A_260, %swap3A_261], %dot_general3A_259 {strides = array<i32>} : memref<10240x1xf32, #tpu.memory_space<vmem>>, vector<128x1xf32>,
    %slice3A_263 = vector.extract_strided_slice %add3A {offsets = [0, 3712], sizes = [1, 128], strides = [1, 1]} : vector<1x10240xf32> to vector<1x128xf32>
    %get3A_264 = arith.constant 0 : index
    %get3A_265 = arith.constant 0 : index
    %get3A_266 = vector.load %arg2[%get3A_264, %get3A_265] : memref<128x128xf32, #tpu.memory_space<vmem>>, vector<128x128xf32>
    %dot_general3A_267 = arith.constant dense<0.000000e+00> : vector<128x1xf32>
    %dot_general3A_268 = tpu.matmul %get3A_266, %slice3A_263, %dot_general3A_267 {dimension_numbers = #tpu.dot_dimension_numbers<[1], [1], [0], [0], [0, 0, 1, 0], [], []>, transpose_lhs_hint = false} : vector<128x128xf32>, vector<1x128xf32>, vector<128x1xf32> -> vector<128x1xf32>
    %swap3A_269 = arith.constant 3712 : index
    %swap3A_270 = arith.constant 0 : index
    %swap3A_271 = vector.load %arg6[%swap3A_269, %swap3A_270] : memref<10240x1xf32, #tpu.memory_space<vmem>>, vector<128x1xf32>
    tpu.vector_store %arg6[%swap3A_269, %swap3A_270], %dot_general3A_268 {strides = array<i32>} : memref<10240x1xf32, #tpu.memory_space<vmem>>, vector<128x1xf32>,
    %slice3A_272 = vector.extract_strided_slice %add3A {offsets = [0, 3840], sizes = [1, 128], strides = [1, 1]} : vector<1x10240xf32> to vector<1x128xf32>
    %get3A_273 = arith.constant 0 : index
    %get3A_274 = arith.constant 0 : index
    %get3A_275 = vector.load %arg2[%get3A_273, %get3A_274] : memref<128x128xf32, #tpu.memory_space<vmem>>, vector<128x128xf32>
    %dot_general3A_276 = arith.constant dense<0.000000e+00> : vector<128x1xf32>
    %dot_general3A_277 = tpu.matmul %get3A_275, %slice3A_272, %dot_general3A_276 {dimension_numbers = #tpu.dot_dimension_numbers<[1], [1], [0], [0], [0, 0, 1, 0], [], []>, transpose_lhs_hint = false} : vector<128x128xf32>, vector<1x128xf32>, vector<128x1xf32> -> vector<128x1xf32>
    %swap3A_278 = arith.constant 3840 : index
    %swap3A_279 = arith.constant 0 : index
    %swap3A_280 = vector.load %arg6[%swap3A_278, %swap3A_279] : memref<10240x1xf32, #tpu.memory_space<vmem>>, vector<128x1xf32>
    tpu.vector_store %arg6[%swap3A_278, %swap3A_279], %dot_general3A_277 {strides = array<i32>} : memref<10240x1xf32, #tpu.memory_space<vmem>>, vector<128x1xf32>,
    %slice3A_281 = vector.extract_strided_slice %add3A {offsets = [0, 3968], sizes = [1, 128], strides = [1, 1]} : vector<1x10240xf32> to vector<1x128xf32>
    %get3A_282 = arith.constant 0 : index
    %get3A_283 = arith.constant 0 : index
    %get3A_284 = vector.load %arg2[%get3A_282, %get3A_283] : memref<128x128xf32, #tpu.memory_space<vmem>>, vector<128x128xf32>
    %dot_general3A_285 = arith.constant dense<0.000000e+00> : vector<128x1xf32>
    %dot_general3A_286 = tpu.matmul %get3A_284, %slice3A_281, %dot_general3A_285 {dimension_numbers = #tpu.dot_dimension_numbers<[1], [1], [0], [0], [0, 0, 1, 0], [], []>, transpose_lhs_hint = false} : vector<128x128xf32>, vector<1x128xf32>, vector<128x1xf32> -> vector<128x1xf32>
    %swap3A_287 = arith.constant 3968 : index
    %swap3A_288 = arith.constant 0 : index
    %swap3A_289 = vector.load %arg6[%swap3A_287, %swap3A_288] : memref<10240x1xf32, #tpu.memory_space<vmem>>, vector<128x1xf32>
    tpu.vector_store %arg6[%swap3A_287, %swap3A_288], %dot_general3A_286 {strides = array<i32>} : memref<10240x1xf32, #tpu.memory_space<vmem>>, vector<128x1xf32>,
    %slice3A_290 = vector.extract_strided_slice %add3A {offsets = [0, 4096], sizes = [1, 128], strides = [1, 1]} : vector<1x10240xf32> to vector<1x128xf32>
    %get3A_291 = arith.constant 0 : index
    %get3A_292 = arith.constant 0 : index
    %get3A_293 = vector.load %arg2[%get3A_291, %get3A_292] : memref<128x128xf32, #tpu.memory_space<vmem>>, vector<128x128xf32>
    %dot_general3A_294 = arith.constant dense<0.000000e+00> : vector<128x1xf32>
    %dot_general3A_295 = tpu.matmul %get3A_293, %slice3A_290, %dot_general3A_294 {dimension_numbers = #tpu.dot_dimension_numbers<[1], [1], [0], [0], [0, 0, 1, 0], [], []>, transpose_lhs_hint = false} : vector<128x128xf32>, vector<1x128xf32>, vector<128x1xf32> -> vector<128x1xf32>
    %swap3A_296 = arith.constant 4096 : index
    %swap3A_297 = arith.constant 0 : index
    %swap3A_298 = vector.load %arg6[%swap3A_296, %swap3A_297] : memref<10240x1xf32, #tpu.memory_space<vmem>>, vector<128x1xf32>
    tpu.vector_store %arg6[%swap3A_296, %swap3A_297], %dot_general3A_295 {strides = array<i32>} : memref<10240x1xf32, #tpu.memory_space<vmem>>, vector<128x1xf32>,
    %slice3A_299 = vector.extract_strided_slice %add3A {offsets = [0, 4224], sizes = [1, 128], strides = [1, 1]} : vector<1x10240xf32> to vector<1x128xf32>
    %get3A_300 = arith.constant 0 : index
    %get3A_301 = arith.constant 0 : index
    %get3A_302 = vector.load %arg2[%get3A_300, %get3A_301] : memref<128x128xf32, #tpu.memory_space<vmem>>, vector<128x128xf32>
    %dot_general3A_303 = arith.constant dense<0.000000e+00> : vector<128x1xf32>
    %dot_general3A_304 = tpu.matmul %get3A_302, %slice3A_299, %dot_general3A_303 {dimension_numbers = #tpu.dot_dimension_numbers<[1], [1], [0], [0], [0, 0, 1, 0], [], []>, transpose_lhs_hint = false} : vector<128x128xf32>, vector<1x128xf32>, vector<128x1xf32> -> vector<128x1xf32>
    %swap3A_305 = arith.constant 4224 : index
    %swap3A_306 = arith.constant 0 : index
    %swap3A_307 = vector.load %arg6[%swap3A_305, %swap3A_306] : memref<10240x1xf32, #tpu.memory_space<vmem>>, vector<128x1xf32>
    tpu.vector_store %arg6[%swap3A_305, %swap3A_306], %dot_general3A_304 {strides = array<i32>} : memref<10240x1xf32, #tpu.memory_space<vmem>>, vector<128x1xf32>,
    %slice3A_308 = vector.extract_strided_slice %add3A {offsets = [0, 4352], sizes = [1, 128], strides = [1, 1]} : vector<1x10240xf32> to vector<1x128xf32>
    %get3A_309 = arith.constant 0 : index
    %get3A_310 = arith.constant 0 : index
    %get3A_311 = vector.load %arg2[%get3A_309, %get3A_310] : memref<128x128xf32, #tpu.memory_space<vmem>>, vector<128x128xf32>
    %dot_general3A_312 = arith.constant dense<0.000000e+00> : vector<128x1xf32>
    %dot_general3A_313 = tpu.matmul %get3A_311, %slice3A_308, %dot_general3A_312 {dimension_numbers = #tpu.dot_dimension_numbers<[1], [1], [0], [0], [0, 0, 1, 0], [], []>, transpose_lhs_hint = false} : vector<128x128xf32>, vector<1x128xf32>, vector<128x1xf32> -> vector<128x1xf32>
    %swap3A_314 = arith.constant 4352 : index
    %swap3A_315 = arith.constant 0 : index
    %swap3A_316 = vector.load %arg6[%swap3A_314, %swap3A_315] : memref<10240x1xf32, #tpu.memory_space<vmem>>, vector<128x1xf32>
    tpu.vector_store %arg6[%swap3A_314, %swap3A_315], %dot_general3A_313 {strides = array<i32>} : memref<10240x1xf32, #tpu.memory_space<vmem>>, vector<128x1xf32>,
    %slice3A_317 = vector.extract_strided_slice %add3A {offsets = [0, 4480], sizes = [1, 128], strides = [1, 1]} : vector<1x10240xf32> to vector<1x128xf32>
    %get3A_318 = arith.constant 0 : index
    %get3A_319 = arith.constant 0 : index
    %get3A_320 = vector.load %arg2[%get3A_318, %get3A_319] : memref<128x128xf32, #tpu.memory_space<vmem>>, vector<128x128xf32>
    %dot_general3A_321 = arith.constant dense<0.000000e+00> : vector<128x1xf32>
    %dot_general3A_322 = tpu.matmul %get3A_320, %slice3A_317, %dot_general3A_321 {dimension_numbers = #tpu.dot_dimension_numbers<[1], [1], [0], [0], [0, 0, 1, 0], [], []>, transpose_lhs_hint = false} : vector<128x128xf32>, vector<1x128xf32>, vector<128x1xf32> -> vector<128x1xf32>
    %swap3A_323 = arith.constant 4480 : index
    %swap3A_324 = arith.constant 0 : index
    %swap3A_325 = vector.load %arg6[%swap3A_323, %swap3A_324] : memref<10240x1xf32, #tpu.memory_space<vmem>>, vector<128x1xf32>
    tpu.vector_store %arg6[%swap3A_323, %swap3A_324], %dot_general3A_322 {strides = array<i32>} : memref<10240x1xf32, #tpu.memory_space<vmem>>, vector<128x1xf32>,
    %slice3A_326 = vector.extract_strided_slice %add3A {offsets = [0, 4608], sizes = [1, 128], strides = [1, 1]} : vector<1x10240xf32> to vector<1x128xf32>
    %get3A_327 = arith.constant 0 : index
    %get3A_328 = arith.constant 0 : index
    %get3A_329 = vector.load %arg2[%get3A_327, %get3A_328] : memref<128x128xf32, #tpu.memory_space<vmem>>, vector<128x128xf32>
    %dot_general3A_330 = arith.constant dense<0.000000e+00> : vector<128x1xf32>
    %dot_general3A_331 = tpu.matmul %get3A_329, %slice3A_326, %dot_general3A_330 {dimension_numbers = #tpu.dot_dimension_numbers<[1], [1], [0], [0], [0, 0, 1, 0], [], []>, transpose_lhs_hint = false} : vector<128x128xf32>, vector<1x128xf32>, vector<128x1xf32> -> vector<128x1xf32>
    %swap3A_332 = arith.constant 4608 : index
    %swap3A_333 = arith.constant 0 : index
    %swap3A_334 = vector.load %arg6[%swap3A_332, %swap3A_333] : memref<10240x1xf32, #tpu.memory_space<vmem>>, vector<128x1xf32>
    tpu.vector_store %arg6[%swap3A_332, %swap3A_333], %dot_general3A_331 {strides = array<i32>} : memref<10240x1xf32, #tpu.memory_space<vmem>>, vector<128x1xf32>,
    %slice3A_335 = vector.extract_strided_slice %add3A {offsets = [0, 4736], sizes = [1, 128], strides = [1, 1]} : vector<1x10240xf32> to vector<1x128xf32>
    %get3A_336 = arith.constant 0 : index
    %get3A_337 = arith.constant 0 : index
    %get3A_338 = vector.load %arg2[%get3A_336, %get3A_337] : memref<128x128xf32, #tpu.memory_space<vmem>>, vector<128x128xf32>
    %dot_general3A_339 = arith.constant dense<0.000000e+00> : vector<128x1xf32>
    %dot_general3A_340 = tpu.matmul %get3A_338, %slice3A_335, %dot_general3A_339 {dimension_numbers = #tpu.dot_dimension_numbers<[1], [1], [0], [0], [0, 0, 1, 0], [], []>, transpose_lhs_hint = false} : vector<128x128xf32>, vector<1x128xf32>, vector<128x1xf32> -> vector<128x1xf32>
    %swap3A_341 = arith.constant 4736 : index
    %swap3A_342 = arith.constant 0 : index
    %swap3A_343 = vector.load %arg6[%swap3A_341, %swap3A_342] : memref<10240x1xf32, #tpu.memory_space<vmem>>, vector<128x1xf32>
    tpu.vector_store %arg6[%swap3A_341, %swap3A_342], %dot_general3A_340 {strides = array<i32>} : memref<10240x1xf32, #tpu.memory_space<vmem>>, vector<128x1xf32>,
    %slice3A_344 = vector.extract_strided_slice %add3A {offsets = [0, 4864], sizes = [1, 128], strides = [1, 1]} : vector<1x10240xf32> to vector<1x128xf32>
    %get3A_345 = arith.constant 0 : index
    %get3A_346 = arith.constant 0 : index
    %get3A_347 = vector.load %arg2[%get3A_345, %get3A_346] : memref<128x128xf32, #tpu.memory_space<vmem>>, vector<128x128xf32>
    %dot_general3A_348 = arith.constant dense<0.000000e+00> : vector<128x1xf32>
    %dot_general3A_349 = tpu.matmul %get3A_347, %slice3A_344, %dot_general3A_348 {dimension_numbers = #tpu.dot_dimension_numbers<[1], [1], [0], [0], [0, 0, 1, 0], [], []>, transpose_lhs_hint = false} : vector<128x128xf32>, vector<1x128xf32>, vector<128x1xf32> -> vector<128x1xf32>
    %swap3A_350 = arith.constant 4864 : index
    %swap3A_351 = arith.constant 0 : index
    %swap3A_352 = vector.load %arg6[%swap3A_350, %swap3A_351] : memref<10240x1xf32, #tpu.memory_space<vmem>>, vector<128x1xf32>
    tpu.vector_store %arg6[%swap3A_350, %swap3A_351], %dot_general3A_349 {strides = array<i32>} : memref<10240x1xf32, #tpu.memory_space<vmem>>, vector<128x1xf32>,
    %slice3A_353 = vector.extract_strided_slice %add3A {offsets = [0, 4992], sizes = [1, 128], strides = [1, 1]} : vector<1x10240xf32> to vector<1x128xf32>
    %get3A_354 = arith.constant 0 : index
    %get3A_355 = arith.constant 0 : index
    %get3A_356 = vector.load %arg2[%get3A_354, %get3A_355] : memref<128x128xf32, #tpu.memory_space<vmem>>, vector<128x128xf32>
    %dot_general3A_357 = arith.constant dense<0.000000e+00> : vector<128x1xf32>
    %dot_general3A_358 = tpu.matmul %get3A_356, %slice3A_353, %dot_general3A_357 {dimension_numbers = #tpu.dot_dimension_numbers<[1], [1], [0], [0], [0, 0, 1, 0], [], []>, transpose_lhs_hint = false} : vector<128x128xf32>, vector<1x128xf32>, vector<128x1xf32> -> vector<128x1xf32>
    %swap3A_359 = arith.constant 4992 : index
    %swap3A_360 = arith.constant 0 : index
    %swap3A_361 = vector.load %arg6[%swap3A_359, %swap3A_360] : memref<10240x1xf32, #tpu.memory_space<vmem>>, vector<128x1xf32>
    tpu.vector_store %arg6[%swap3A_359, %swap3A_360], %dot_general3A_358 {strides = array<i32>} : memref<10240x1xf32, #tpu.memory_space<vmem>>, vector<128x1xf32>,
    %slice3A_362 = vector.extract_strided_slice %add3A {offsets = [0, 5120], sizes = [1, 128], strides = [1, 1]} : vector<1x10240xf32> to vector<1x128xf32>
    %get3A_363 = arith.constant 0 : index
    %get3A_364 = arith.constant 0 : index
    %get3A_365 = vector.load %arg2[%get3A_363, %get3A_364] : memref<128x128xf32, #tpu.memory_space<vmem>>, vector<128x128xf32>
    %dot_general3A_366 = arith.constant dense<0.000000e+00> : vector<128x1xf32>
    %dot_general3A_367 = tpu.matmul %get3A_365, %slice3A_362, %dot_general3A_366 {dimension_numbers = #tpu.dot_dimension_numbers<[1], [1], [0], [0], [0, 0, 1, 0], [], []>, transpose_lhs_hint = false} : vector<128x128xf32>, vector<1x128xf32>, vector<128x1xf32> -> vector<128x1xf32>
    %swap3A_368 = arith.constant 5120 : index
    %swap3A_369 = arith.constant 0 : index
    %swap3A_370 = vector.load %arg6[%swap3A_368, %swap3A_369] : memref<10240x1xf32, #tpu.memory_space<vmem>>, vector<128x1xf32>
    tpu.vector_store %arg6[%swap3A_368, %swap3A_369], %dot_general3A_367 {strides = array<i32>} : memref<10240x1xf32, #tpu.memory_space<vmem>>, vector<128x1xf32>,
    %slice3A_371 = vector.extract_strided_slice %add3A {offsets = [0, 5248], sizes = [1, 128], strides = [1, 1]} : vector<1x10240xf32> to vector<1x128xf32>
    %get3A_372 = arith.constant 0 : index
    %get3A_373 = arith.constant 0 : index
    %get3A_374 = vector.load %arg2[%get3A_372, %get3A_373] : memref<128x128xf32, #tpu.memory_space<vmem>>, vector<128x128xf32>
    %dot_general3A_375 = arith.constant dense<0.000000e+00> : vector<128x1xf32>
    %dot_general3A_376 = tpu.matmul %get3A_374, %slice3A_371, %dot_general3A_375 {dimension_numbers = #tpu.dot_dimension_numbers<[1], [1], [0], [0], [0, 0, 1, 0], [], []>, transpose_lhs_hint = false} : vector<128x128xf32>, vector<1x128xf32>, vector<128x1xf32> -> vector<128x1xf32>
    %swap3A_377 = arith.constant 5248 : index
    %swap3A_378 = arith.constant 0 : index
    %swap3A_379 = vector.load %arg6[%swap3A_377, %swap3A_378] : memref<10240x1xf32, #tpu.memory_space<vmem>>, vector<128x1xf32>
    tpu.vector_store %arg6[%swap3A_377, %swap3A_378], %dot_general3A_376 {strides = array<i32>} : memref<10240x1xf32, #tpu.memory_space<vmem>>, vector<128x1xf32>,
    %slice3A_380 = vector.extract_strided_slice %add3A {offsets = [0, 5376], sizes = [1, 128], strides = [1, 1]} : vector<1x10240xf32> to vector<1x128xf32>
    %get3A_381 = arith.constant 0 : index
    %get3A_382 = arith.constant 0 : index
    %get3A_383 = vector.load %arg2[%get3A_381, %get3A_382] : memref<128x128xf32, #tpu.memory_space<vmem>>, vector<128x128xf32>
    %dot_general3A_384 = arith.constant dense<0.000000e+00> : vector<128x1xf32>
    %dot_general3A_385 = tpu.matmul %get3A_383, %slice3A_380, %dot_general3A_384 {dimension_numbers = #tpu.dot_dimension_numbers<[1], [1], [0], [0], [0, 0, 1, 0], [], []>, transpose_lhs_hint = false} : vector<128x128xf32>, vector<1x128xf32>, vector<128x1xf32> -> vector<128x1xf32>
    %swap3A_386 = arith.constant 5376 : index
    %swap3A_387 = arith.constant 0 : index
    %swap3A_388 = vector.load %arg6[%swap3A_386, %swap3A_387] : memref<10240x1xf32, #tpu.memory_space<vmem>>, vector<128x1xf32>
    tpu.vector_store %arg6[%swap3A_386, %swap3A_387], %dot_general3A_385 {strides = array<i32>} : memref<10240x1xf32, #tpu.memory_space<vmem>>, vector<128x1xf32>,
    %slice3A_389 = vector.extract_strided_slice %add3A {offsets = [0, 5504], sizes = [1, 128], strides = [1, 1]} : vector<1x10240xf32> to vector<1x128xf32>
    %get3A_390 = arith.constant 0 : index
    %get3A_391 = arith.constant 0 : index
    %get3A_392 = vector.load %arg2[%get3A_390, %get3A_391] : memref<128x128xf32, #tpu.memory_space<vmem>>, vector<128x128xf32>
    %dot_general3A_393 = arith.constant dense<0.000000e+00> : vector<128x1xf32>
    %dot_general3A_394 = tpu.matmul %get3A_392, %slice3A_389, %dot_general3A_393 {dimension_numbers = #tpu.dot_dimension_numbers<[1], [1], [0], [0], [0, 0, 1, 0], [], []>, transpose_lhs_hint = false} : vector<128x128xf32>, vector<1x128xf32>, vector<128x1xf32> -> vector<128x1xf32>
    %swap3A_395 = arith.constant 5504 : index
    %swap3A_396 = arith.constant 0 : index
    %swap3A_397 = vector.load %arg6[%swap3A_395, %swap3A_396] : memref<10240x1xf32, #tpu.memory_space<vmem>>, vector<128x1xf32>
    tpu.vector_store %arg6[%swap3A_395, %swap3A_396], %dot_general3A_394 {strides = array<i32>} : memref<10240x1xf32, #tpu.memory_space<vmem>>, vector<128x1xf32>,
    %slice3A_398 = vector.extract_strided_slice %add3A {offsets = [0, 5632], sizes = [1, 128], strides = [1, 1]} : vector<1x10240xf32> to vector<1x128xf32>
    %get3A_399 = arith.constant 0 : index
    %get3A_400 = arith.constant 0 : index
    %get3A_401 = vector.load %arg2[%get3A_399, %get3A_400] : memref<128x128xf32, #tpu.memory_space<vmem>>, vector<128x128xf32>
    %dot_general3A_402 = arith.constant dense<0.000000e+00> : vector<128x1xf32>
    %dot_general3A_403 = tpu.matmul %get3A_401, %slice3A_398, %dot_general3A_402 {dimension_numbers = #tpu.dot_dimension_numbers<[1], [1], [0], [0], [0, 0, 1, 0], [], []>, transpose_lhs_hint = false} : vector<128x128xf32>, vector<1x128xf32>, vector<128x1xf32> -> vector<128x1xf32>
    %swap3A_404 = arith.constant 5632 : index
    %swap3A_405 = arith.constant 0 : index
    %swap3A_406 = vector.load %arg6[%swap3A_404, %swap3A_405] : memref<10240x1xf32, #tpu.memory_space<vmem>>, vector<128x1xf32>
    tpu.vector_store %arg6[%swap3A_404, %swap3A_405], %dot_general3A_403 {strides = array<i32>} : memref<10240x1xf32, #tpu.memory_space<vmem>>, vector<128x1xf32>,
    %slice3A_407 = vector.extract_strided_slice %add3A {offsets = [0, 5760], sizes = [1, 128], strides = [1, 1]} : vector<1x10240xf32> to vector<1x128xf32>
    %get3A_408 = arith.constant 0 : index
    %get3A_409 = arith.constant 0 : index
    %get3A_410 = vector.load %arg2[%get3A_408, %get3A_409] : memref<128x128xf32, #tpu.memory_space<vmem>>, vector<128x128xf32>
    %dot_general3A_411 = arith.constant dense<0.000000e+00> : vector<128x1xf32>
    %dot_general3A_412 = tpu.matmul %get3A_410, %slice3A_407, %dot_general3A_411 {dimension_numbers = #tpu.dot_dimension_numbers<[1], [1], [0], [0], [0, 0, 1, 0], [], []>, transpose_lhs_hint = false} : vector<128x128xf32>, vector<1x128xf32>, vector<128x1xf32> -> vector<128x1xf32>
    %swap3A_413 = arith.constant 5760 : index
    %swap3A_414 = arith.constant 0 : index
    %swap3A_415 = vector.load %arg6[%swap3A_413, %swap3A_414] : memref<10240x1xf32, #tpu.memory_space<vmem>>, vector<128x1xf32>
    tpu.vector_store %arg6[%swap3A_413, %swap3A_414], %dot_general3A_412 {strides = array<i32>} : memref<10240x1xf32, #tpu.memory_space<vmem>>, vector<128x1xf32>,
    %slice3A_416 = vector.extract_strided_slice %add3A {offsets = [0, 5888], sizes = [1, 128], strides = [1, 1]} : vector<1x10240xf32> to vector<1x128xf32>
    %get3A_417 = arith.constant 0 : index
    %get3A_418 = arith.constant 0 : index
    %get3A_419 = vector.load %arg2[%get3A_417, %get3A_418] : memref<128x128xf32, #tpu.memory_space<vmem>>, vector<128x128xf32>
    %dot_general3A_420 = arith.constant dense<0.000000e+00> : vector<128x1xf32>
    %dot_general3A_421 = tpu.matmul %get3A_419, %slice3A_416, %dot_general3A_420 {dimension_numbers = #tpu.dot_dimension_numbers<[1], [1], [0], [0], [0, 0, 1, 0], [], []>, transpose_lhs_hint = false} : vector<128x128xf32>, vector<1x128xf32>, vector<128x1xf32> -> vector<128x1xf32>
    %swap3A_422 = arith.constant 5888 : index
    %swap3A_423 = arith.constant 0 : index
    %swap3A_424 = vector.load %arg6[%swap3A_422, %swap3A_423] : memref<10240x1xf32, #tpu.memory_space<vmem>>, vector<128x1xf32>
    tpu.vector_store %arg6[%swap3A_422, %swap3A_423], %dot_general3A_421 {strides = array<i32>} : memref<10240x1xf32, #tpu.memory_space<vmem>>, vector<128x1xf32>,
    %slice3A_425 = vector.extract_strided_slice %add3A {offsets = [0, 6016], sizes = [1, 128], strides = [1, 1]} : vector<1x10240xf32> to vector<1x128xf32>
    %get3A_426 = arith.constant 0 : index
    %get3A_427 = arith.constant 0 : index
    %get3A_428 = vector.load %arg2[%get3A_426, %get3A_427] : memref<128x128xf32, #tpu.memory_space<vmem>>, vector<128x128xf32>
    %dot_general3A_429 = arith.constant dense<0.000000e+00> : vector<128x1xf32>
    %dot_general3A_430 = tpu.matmul %get3A_428, %slice3A_425, %dot_general3A_429 {dimension_numbers = #tpu.dot_dimension_numbers<[1], [1], [0], [0], [0, 0, 1, 0], [], []>, transpose_lhs_hint = false} : vector<128x128xf32>, vector<1x128xf32>, vector<128x1xf32> -> vector<128x1xf32>
    %swap3A_431 = arith.constant 6016 : index
    %swap3A_432 = arith.constant 0 : index
    %swap3A_433 = vector.load %arg6[%swap3A_431, %swap3A_432] : memref<10240x1xf32, #tpu.memory_space<vmem>>, vector<128x1xf32>
    tpu.vector_store %arg6[%swap3A_431, %swap3A_432], %dot_general3A_430 {strides = array<i32>} : memref<10240x1xf32, #tpu.memory_space<vmem>>, vector<128x1xf32>,
    %slice3A_434 = vector.extract_strided_slice %add3A {offsets = [0, 6144], sizes = [1, 128], strides = [1, 1]} : vector<1x10240xf32> to vector<1x128xf32>
    %get3A_435 = arith.constant 0 : index
    %get3A_436 = arith.constant 0 : index
    %get3A_437 = vector.load %arg2[%get3A_435, %get3A_436] : memref<128x128xf32, #tpu.memory_space<vmem>>, vector<128x128xf32>
    %dot_general3A_438 = arith.constant dense<0.000000e+00> : vector<128x1xf32>
    %dot_general3A_439 = tpu.matmul %get3A_437, %slice3A_434, %dot_general3A_438 {dimension_numbers = #tpu.dot_dimension_numbers<[1], [1], [0], [0], [0, 0, 1, 0], [], []>, transpose_lhs_hint = false} : vector<128x128xf32>, vector<1x128xf32>, vector<128x1xf32> -> vector<128x1xf32>
    %swap3A_440 = arith.constant 6144 : index
    %swap3A_441 = arith.constant 0 : index
    %swap3A_442 = vector.load %arg6[%swap3A_440, %swap3A_441] : memref<10240x1xf32, #tpu.memory_space<vmem>>, vector<128x1xf32>
    tpu.vector_store %arg6[%swap3A_440, %swap3A_441], %dot_general3A_439 {strides = array<i32>} : memref<10240x1xf32, #tpu.memory_space<vmem>>, vector<128x1xf32>,
    %slice3A_443 = vector.extract_strided_slice %add3A {offsets = [0, 6272], sizes = [1, 128], strides = [1, 1]} : vector<1x10240xf32> to vector<1x128xf32>
    %get3A_444 = arith.constant 0 : index
    %get3A_445 = arith.constant 0 : index
    %get3A_446 = vector.load %arg2[%get3A_444, %get3A_445] : memref<128x128xf32, #tpu.memory_space<vmem>>, vector<128x128xf32>
    %dot_general3A_447 = arith.constant dense<0.000000e+00> : vector<128x1xf32>
    %dot_general3A_448 = tpu.matmul %get3A_446, %slice3A_443, %dot_general3A_447 {dimension_numbers = #tpu.dot_dimension_numbers<[1], [1], [0], [0], [0, 0, 1, 0], [], []>, transpose_lhs_hint = false} : vector<128x128xf32>, vector<1x128xf32>, vector<128x1xf32> -> vector<128x1xf32>
    %swap3A_449 = arith.constant 6272 : index
    %swap3A_450 = arith.constant 0 : index
    %swap3A_451 = vector.load %arg6[%swap3A_449, %swap3A_450] : memref<10240x1xf32, #tpu.memory_space<vmem>>, vector<128x1xf32>
    tpu.vector_store %arg6[%swap3A_449, %swap3A_450], %dot_general3A_448 {strides = array<i32>} : memref<10240x1xf32, #tpu.memory_space<vmem>>, vector<128x1xf32>,
    %slice3A_452 = vector.extract_strided_slice %add3A {offsets = [0, 6400], sizes = [1, 128], strides = [1, 1]} : vector<1x10240xf32> to vector<1x128xf32>
    %get3A_453 = arith.constant 0 : index
    %get3A_454 = arith.constant 0 : index
    %get3A_455 = vector.load %arg2[%get3A_453, %get3A_454] : memref<128x128xf32, #tpu.memory_space<vmem>>, vector<128x128xf32>
    %dot_general3A_456 = arith.constant dense<0.000000e+00> : vector<128x1xf32>
    %dot_general3A_457 = tpu.matmul %get3A_455, %slice3A_452, %dot_general3A_456 {dimension_numbers = #tpu.dot_dimension_numbers<[1], [1], [0], [0], [0, 0, 1, 0], [], []>, transpose_lhs_hint = false} : vector<128x128xf32>, vector<1x128xf32>, vector<128x1xf32> -> vector<128x1xf32>
    %swap3A_458 = arith.constant 6400 : index
    %swap3A_459 = arith.constant 0 : index
    %swap3A_460 = vector.load %arg6[%swap3A_458, %swap3A_459] : memref<10240x1xf32, #tpu.memory_space<vmem>>, vector<128x1xf32>
    tpu.vector_store %arg6[%swap3A_458, %swap3A_459], %dot_general3A_457 {strides = array<i32>} : memref<10240x1xf32, #tpu.memory_space<vmem>>, vector<128x1xf32>,
    %slice3A_461 = vector.extract_strided_slice %add3A {offsets = [0, 6528], sizes = [1, 128], strides = [1, 1]} : vector<1x10240xf32> to vector<1x128xf32>
    %get3A_462 = arith.constant 0 : index
    %get3A_463 = arith.constant 0 : index
    %get3A_464 = vector.load %arg2[%get3A_462, %get3A_463] : memref<128x128xf32, #tpu.memory_space<vmem>>, vector<128x128xf32>
    %dot_general3A_465 = arith.constant dense<0.000000e+00> : vector<128x1xf32>
    %dot_general3A_466 = tpu.matmul %get3A_464, %slice3A_461, %dot_general3A_465 {dimension_numbers = #tpu.dot_dimension_numbers<[1], [1], [0], [0], [0, 0, 1, 0], [], []>, transpose_lhs_hint = false} : vector<128x128xf32>, vector<1x128xf32>, vector<128x1xf32> -> vector<128x1xf32>
    %swap3A_467 = arith.constant 6528 : index
    %swap3A_468 = arith.constant 0 : index
    %swap3A_469 = vector.load %arg6[%swap3A_467, %swap3A_468] : memref<10240x1xf32, #tpu.memory_space<vmem>>, vector<128x1xf32>
    tpu.vector_store %arg6[%swap3A_467, %swap3A_468], %dot_general3A_466 {strides = array<i32>} : memref<10240x1xf32, #tpu.memory_space<vmem>>, vector<128x1xf32>,
    %slice3A_470 = vector.extract_strided_slice %add3A {offsets = [0, 6656], sizes = [1, 128], strides = [1, 1]} : vector<1x10240xf32> to vector<1x128xf32>
    %get3A_471 = arith.constant 0 : index
    %get3A_472 = arith.constant 0 : index
    %get3A_473 = vector.load %arg2[%get3A_471, %get3A_472] : memref<128x128xf32, #tpu.memory_space<vmem>>, vector<128x128xf32>
    %dot_general3A_474 = arith.constant dense<0.000000e+00> : vector<128x1xf32>
    %dot_general3A_475 = tpu.matmul %get3A_473, %slice3A_470, %dot_general3A_474 {dimension_numbers = #tpu.dot_dimension_numbers<[1], [1], [0], [0], [0, 0, 1, 0], [], []>, transpose_lhs_hint = false} : vector<128x128xf32>, vector<1x128xf32>, vector<128x1xf32> -> vector<128x1xf32>
    %swap3A_476 = arith.constant 6656 : index
    %swap3A_477 = arith.constant 0 : index
    %swap3A_478 = vector.load %arg6[%swap3A_476, %swap3A_477] : memref<10240x1xf32, #tpu.memory_space<vmem>>, vector<128x1xf32>
    tpu.vector_store %arg6[%swap3A_476, %swap3A_477], %dot_general3A_475 {strides = array<i32>} : memref<10240x1xf32, #tpu.memory_space<vmem>>, vector<128x1xf32>,
    %slice3A_479 = vector.extract_strided_slice %add3A {offsets = [0, 6784], sizes = [1, 128], strides = [1, 1]} : vector<1x10240xf32> to vector<1x128xf32>
    %get3A_480 = arith.constant 0 : index
    %get3A_481 = arith.constant 0 : index
    %get3A_482 = vector.load %arg2[%get3A_480, %get3A_481] : memref<128x128xf32, #tpu.memory_space<vmem>>, vector<128x128xf32>
    %dot_general3A_483 = arith.constant dense<0.000000e+00> : vector<128x1xf32>
    %dot_general3A_484 = tpu.matmul %get3A_482, %slice3A_479, %dot_general3A_483 {dimension_numbers = #tpu.dot_dimension_numbers<[1], [1], [0], [0], [0, 0, 1, 0], [], []>, transpose_lhs_hint = false} : vector<128x128xf32>, vector<1x128xf32>, vector<128x1xf32> -> vector<128x1xf32>
    %swap3A_485 = arith.constant 6784 : index
    %swap3A_486 = arith.constant 0 : index
    %swap3A_487 = vector.load %arg6[%swap3A_485, %swap3A_486] : memref<10240x1xf32, #tpu.memory_space<vmem>>, vector<128x1xf32>
    tpu.vector_store %arg6[%swap3A_485, %swap3A_486], %dot_general3A_484 {strides = array<i32>} : memref<10240x1xf32, #tpu.memory_space<vmem>>, vector<128x1xf32>,
    %slice3A_488 = vector.extract_strided_slice %add3A {offsets = [0, 6912], sizes = [1, 128], strides = [1, 1]} : vector<1x10240xf32> to vector<1x128xf32>
    %get3A_489 = arith.constant 0 : index
    %get3A_490 = arith.constant 0 : index
    %get3A_491 = vector.load %arg2[%get3A_489, %get3A_490] : memref<128x128xf32, #tpu.memory_space<vmem>>, vector<128x128xf32>
    %dot_general3A_492 = arith.constant dense<0.000000e+00> : vector<128x1xf32>
    %dot_general3A_493 = tpu.matmul %get3A_491, %slice3A_488, %dot_general3A_492 {dimension_numbers = #tpu.dot_dimension_numbers<[1], [1], [0], [0], [0, 0, 1, 0], [], []>, transpose_lhs_hint = false} : vector<128x128xf32>, vector<1x128xf32>, vector<128x1xf32> -> vector<128x1xf32>
    %swap3A_494 = arith.constant 6912 : index
    %swap3A_495 = arith.constant 0 : index
    %swap3A_496 = vector.load %arg6[%swap3A_494, %swap3A_495] : memref<10240x1xf32, #tpu.memory_space<vmem>>, vector<128x1xf32>
    tpu.vector_store %arg6[%swap3A_494, %swap3A_495], %dot_general3A_493 {strides = array<i32>} : memref<10240x1xf32, #tpu.memory_space<vmem>>, vector<128x1xf32>,
    %slice3A_497 = vector.extract_strided_slice %add3A {offsets = [0, 7040], sizes = [1, 128], strides = [1, 1]} : vector<1x10240xf32> to vector<1x128xf32>
    %get3A_498 = arith.constant 0 : index
    %get3A_499 = arith.constant 0 : index
    %get3A_500 = vector.load %arg2[%get3A_498, %get3A_499] : memref<128x128xf32, #tpu.memory_space<vmem>>, vector<128x128xf32>
    %dot_general3A_501 = arith.constant dense<0.000000e+00> : vector<128x1xf32>
    %dot_general3A_502 = tpu.matmul %get3A_500, %slice3A_497, %dot_general3A_501 {dimension_numbers = #tpu.dot_dimension_numbers<[1], [1], [0], [0], [0, 0, 1, 0], [], []>, transpose_lhs_hint = false} : vector<128x128xf32>, vector<1x128xf32>, vector<128x1xf32> -> vector<128x1xf32>
    %swap3A_503 = arith.constant 7040 : index
    %swap3A_504 = arith.constant 0 : index
    %swap3A_505 = vector.load %arg6[%swap3A_503, %swap3A_504] : memref<10240x1xf32, #tpu.memory_space<vmem>>, vector<128x1xf32>
    tpu.vector_store %arg6[%swap3A_503, %swap3A_504], %dot_general3A_502 {strides = array<i32>} : memref<10240x1xf32, #tpu.memory_space<vmem>>, vector<128x1xf32>,
    %slice3A_506 = vector.extract_strided_slice %add3A {offsets = [0, 7168], sizes = [1, 128], strides = [1, 1]} : vector<1x10240xf32> to vector<1x128xf32>
    %get3A_507 = arith.constant 0 : index
    %get3A_508 = arith.constant 0 : index
    %get3A_509 = vector.load %arg2[%get3A_507, %get3A_508] : memref<128x128xf32, #tpu.memory_space<vmem>>, vector<128x128xf32>
    %dot_general3A_510 = arith.constant dense<0.000000e+00> : vector<128x1xf32>
    %dot_general3A_511 = tpu.matmul %get3A_509, %slice3A_506, %dot_general3A_510 {dimension_numbers = #tpu.dot_dimension_numbers<[1], [1], [0], [0], [0, 0, 1, 0], [], []>, transpose_lhs_hint = false} : vector<128x128xf32>, vector<1x128xf32>, vector<128x1xf32> -> vector<128x1xf32>
    %swap3A_512 = arith.constant 7168 : index
    %swap3A_513 = arith.constant 0 : index
    %swap3A_514 = vector.load %arg6[%swap3A_512, %swap3A_513] : memref<10240x1xf32, #tpu.memory_space<vmem>>, vector<128x1xf32>
    tpu.vector_store %arg6[%swap3A_512, %swap3A_513], %dot_general3A_511 {strides = array<i32>} : memref<10240x1xf32, #tpu.memory_space<vmem>>, vector<128x1xf32>,
    %slice3A_515 = vector.extract_strided_slice %add3A {offsets = [0, 7296], sizes = [1, 128], strides = [1, 1]} : vector<1x10240xf32> to vector<1x128xf32>
    %get3A_516 = arith.constant 0 : index
    %get3A_517 = arith.constant 0 : index
    %get3A_518 = vector.load %arg2[%get3A_516, %get3A_517] : memref<128x128xf32, #tpu.memory_space<vmem>>, vector<128x128xf32>
    %dot_general3A_519 = arith.constant dense<0.000000e+00> : vector<128x1xf32>
    %dot_general3A_520 = tpu.matmul %get3A_518, %slice3A_515, %dot_general3A_519 {dimension_numbers = #tpu.dot_dimension_numbers<[1], [1], [0], [0], [0, 0, 1, 0], [], []>, transpose_lhs_hint = false} : vector<128x128xf32>, vector<1x128xf32>, vector<128x1xf32> -> vector<128x1xf32>
    %swap3A_521 = arith.constant 7296 : index
    %swap3A_522 = arith.constant 0 : index
    %swap3A_523 = vector.load %arg6[%swap3A_521, %swap3A_522] : memref<10240x1xf32, #tpu.memory_space<vmem>>, vector<128x1xf32>
    tpu.vector_store %arg6[%swap3A_521, %swap3A_522], %dot_general3A_520 {strides = array<i32>} : memref<10240x1xf32, #tpu.memory_space<vmem>>, vector<128x1xf32>,
    %slice3A_524 = vector.extract_strided_slice %add3A {offsets = [0, 7424], sizes = [1, 128], strides = [1, 1]} : vector<1x10240xf32> to vector<1x128xf32>
    %get3A_525 = arith.constant 0 : index
    %get3A_526 = arith.constant 0 : index
    %get3A_527 = vector.load %arg2[%get3A_525, %get3A_526] : memref<128x128xf32, #tpu.memory_space<vmem>>, vector<128x128xf32>
    %dot_general3A_528 = arith.constant dense<0.000000e+00> : vector<128x1xf32>
    %dot_general3A_529 = tpu.matmul %get3A_527, %slice3A_524, %dot_general3A_528 {dimension_numbers = #tpu.dot_dimension_numbers<[1], [1], [0], [0], [0, 0, 1, 0], [], []>, transpose_lhs_hint = false} : vector<128x128xf32>, vector<1x128xf32>, vector<128x1xf32> -> vector<128x1xf32>
    %swap3A_530 = arith.constant 7424 : index
    %swap3A_531 = arith.constant 0 : index
    %swap3A_532 = vector.load %arg6[%swap3A_530, %swap3A_531] : memref<10240x1xf32, #tpu.memory_space<vmem>>, vector<128x1xf32>
    tpu.vector_store %arg6[%swap3A_530, %swap3A_531], %dot_general3A_529 {strides = array<i32>} : memref<10240x1xf32, #tpu.memory_space<vmem>>, vector<128x1xf32>,
    %slice3A_533 = vector.extract_strided_slice %add3A {offsets = [0, 7552], sizes = [1, 128], strides = [1, 1]} : vector<1x10240xf32> to vector<1x128xf32>
    %get3A_534 = arith.constant 0 : index
    %get3A_535 = arith.constant 0 : index
    %get3A_536 = vector.load %arg2[%get3A_534, %get3A_535] : memref<128x128xf32, #tpu.memory_space<vmem>>, vector<128x128xf32>
    %dot_general3A_537 = arith.constant dense<0.000000e+00> : vector<128x1xf32>
    %dot_general3A_538 = tpu.matmul %get3A_536, %slice3A_533, %dot_general3A_537 {dimension_numbers = #tpu.dot_dimension_numbers<[1], [1], [0], [0], [0, 0, 1, 0], [], []>, transpose_lhs_hint = false} : vector<128x128xf32>, vector<1x128xf32>, vector<128x1xf32> -> vector<128x1xf32>
    %swap3A_539 = arith.constant 7552 : index
    %swap3A_540 = arith.constant 0 : index
    %swap3A_541 = vector.load %arg6[%swap3A_539, %swap3A_540] : memref<10240x1xf32, #tpu.memory_space<vmem>>, vector<128x1xf32>
    tpu.vector_store %arg6[%swap3A_539, %swap3A_540], %dot_general3A_538 {strides = array<i32>} : memref<10240x1xf32, #tpu.memory_space<vmem>>, vector<128x1xf32>,
    %slice3A_542 = vector.extract_strided_slice %add3A {offsets = [0, 7680], sizes = [1, 128], strides = [1, 1]} : vector<1x10240xf32> to vector<1x128xf32>
    %get3A_543 = arith.constant 0 : index
    %get3A_544 = arith.constant 0 : index
    %get3A_545 = vector.load %arg2[%get3A_543, %get3A_544] : memref<128x128xf32, #tpu.memory_space<vmem>>, vector<128x128xf32>
    %dot_general3A_546 = arith.constant dense<0.000000e+00> : vector<128x1xf32>
    %dot_general3A_547 = tpu.matmul %get3A_545, %slice3A_542, %dot_general3A_546 {dimension_numbers = #tpu.dot_dimension_numbers<[1], [1], [0], [0], [0, 0, 1, 0], [], []>, transpose_lhs_hint = false} : vector<128x128xf32>, vector<1x128xf32>, vector<128x1xf32> -> vector<128x1xf32>
    %swap3A_548 = arith.constant 7680 : index
    %swap3A_549 = arith.constant 0 : index
    %swap3A_550 = vector.load %arg6[%swap3A_548, %swap3A_549] : memref<10240x1xf32, #tpu.memory_space<vmem>>, vector<128x1xf32>
    tpu.vector_store %arg6[%swap3A_548, %swap3A_549], %dot_general3A_547 {strides = array<i32>} : memref<10240x1xf32, #tpu.memory_space<vmem>>, vector<128x1xf32>,
    %slice3A_551 = vector.extract_strided_slice %add3A {offsets = [0, 7808], sizes = [1, 128], strides = [1, 1]} : vector<1x10240xf32> to vector<1x128xf32>
    %get3A_552 = arith.constant 0 : index
    %get3A_553 = arith.constant 0 : index
    %get3A_554 = vector.load %arg2[%get3A_552, %get3A_553] : memref<128x128xf32, #tpu.memory_space<vmem>>, vector<128x128xf32>
    %dot_general3A_555 = arith.constant dense<0.000000e+00> : vector<128x1xf32>
    %dot_general3A_556 = tpu.matmul %get3A_554, %slice3A_551, %dot_general3A_555 {dimension_numbers = #tpu.dot_dimension_numbers<[1], [1], [0], [0], [0, 0, 1, 0], [], []>, transpose_lhs_hint = false} : vector<128x128xf32>, vector<1x128xf32>, vector<128x1xf32> -> vector<128x1xf32>
    %swap3A_557 = arith.constant 7808 : index
    %swap3A_558 = arith.constant 0 : index
    %swap3A_559 = vector.load %arg6[%swap3A_557, %swap3A_558] : memref<10240x1xf32, #tpu.memory_space<vmem>>, vector<128x1xf32>
    tpu.vector_store %arg6[%swap3A_557, %swap3A_558], %dot_general3A_556 {strides = array<i32>} : memref<10240x1xf32, #tpu.memory_space<vmem>>, vector<128x1xf32>,
    %slice3A_560 = vector.extract_strided_slice %add3A {offsets = [0, 7936], sizes = [1, 128], strides = [1, 1]} : vector<1x10240xf32> to vector<1x128xf32>
    %get3A_561 = arith.constant 0 : index
    %get3A_562 = arith.constant 0 : index
    %get3A_563 = vector.load %arg2[%get3A_561, %get3A_562] : memref<128x128xf32, #tpu.memory_space<vmem>>, vector<128x128xf32>
    %dot_general3A_564 = arith.constant dense<0.000000e+00> : vector<128x1xf32>
    %dot_general3A_565 = tpu.matmul %get3A_563, %slice3A_560, %dot_general3A_564 {dimension_numbers = #tpu.dot_dimension_numbers<[1], [1], [0], [0], [0, 0, 1, 0], [], []>, transpose_lhs_hint = false} : vector<128x128xf32>, vector<1x128xf32>, vector<128x1xf32> -> vector<128x1xf32>
    %swap3A_566 = arith.constant 7936 : index
    %swap3A_567 = arith.constant 0 : index
    %swap3A_568 = vector.load %arg6[%swap3A_566, %swap3A_567] : memref<10240x1xf32, #tpu.memory_space<vmem>>, vector<128x1xf32>
    tpu.vector_store %arg6[%swap3A_566, %swap3A_567], %dot_general3A_565 {strides = array<i32>} : memref<10240x1xf32, #tpu.memory_space<vmem>>, vector<128x1xf32>,
    %slice3A_569 = vector.extract_strided_slice %add3A {offsets = [0, 8064], sizes = [1, 128], strides = [1, 1]} : vector<1x10240xf32> to vector<1x128xf32>
    %get3A_570 = arith.constant 0 : index
    %get3A_571 = arith.constant 0 : index
    %get3A_572 = vector.load %arg2[%get3A_570, %get3A_571] : memref<128x128xf32, #tpu.memory_space<vmem>>, vector<128x128xf32>
    %dot_general3A_573 = arith.constant dense<0.000000e+00> : vector<128x1xf32>
    %dot_general3A_574 = tpu.matmul %get3A_572, %slice3A_569, %dot_general3A_573 {dimension_numbers = #tpu.dot_dimension_numbers<[1], [1], [0], [0], [0, 0, 1, 0], [], []>, transpose_lhs_hint = false} : vector<128x128xf32>, vector<1x128xf32>, vector<128x1xf32> -> vector<128x1xf32>
    %swap3A_575 = arith.constant 8064 : index
    %swap3A_576 = arith.constant 0 : index
    %swap3A_577 = vector.load %arg6[%swap3A_575, %swap3A_576] : memref<10240x1xf32, #tpu.memory_space<vmem>>, vector<128x1xf32>
    tpu.vector_store %arg6[%swap3A_575, %swap3A_576], %dot_general3A_574 {strides = array<i32>} : memref<10240x1xf32, #tpu.memory_space<vmem>>, vector<128x1xf32>,
    %slice3A_578 = vector.extract_strided_slice %add3A {offsets = [0, 8192], sizes = [1, 128], strides = [1, 1]} : vector<1x10240xf32> to vector<1x128xf32>
    %get3A_579 = arith.constant 0 : index
    %get3A_580 = arith.constant 0 : index
    %get3A_581 = vector.load %arg2[%get3A_579, %get3A_580] : memref<128x128xf32, #tpu.memory_space<vmem>>, vector<128x128xf32>
    %dot_general3A_582 = arith.constant dense<0.000000e+00> : vector<128x1xf32>
    %dot_general3A_583 = tpu.matmul %get3A_581, %slice3A_578, %dot_general3A_582 {dimension_numbers = #tpu.dot_dimension_numbers<[1], [1], [0], [0], [0, 0, 1, 0], [], []>, transpose_lhs_hint = false} : vector<128x128xf32>, vector<1x128xf32>, vector<128x1xf32> -> vector<128x1xf32>
    %swap3A_584 = arith.constant 8192 : index
    %swap3A_585 = arith.constant 0 : index
    %swap3A_586 = vector.load %arg6[%swap3A_584, %swap3A_585] : memref<10240x1xf32, #tpu.memory_space<vmem>>, vector<128x1xf32>
    tpu.vector_store %arg6[%swap3A_584, %swap3A_585], %dot_general3A_583 {strides = array<i32>} : memref<10240x1xf32, #tpu.memory_space<vmem>>, vector<128x1xf32>,
    %slice3A_587 = vector.extract_strided_slice %add3A {offsets = [0, 8320], sizes = [1, 128], strides = [1, 1]} : vector<1x10240xf32> to vector<1x128xf32>
    %get3A_588 = arith.constant 0 : index
    %get3A_589 = arith.constant 0 : index
    %get3A_590 = vector.load %arg2[%get3A_588, %get3A_589] : memref<128x128xf32, #tpu.memory_space<vmem>>, vector<128x128xf32>
    %dot_general3A_591 = arith.constant dense<0.000000e+00> : vector<128x1xf32>
    %dot_general3A_592 = tpu.matmul %get3A_590, %slice3A_587, %dot_general3A_591 {dimension_numbers = #tpu.dot_dimension_numbers<[1], [1], [0], [0], [0, 0, 1, 0], [], []>, transpose_lhs_hint = false} : vector<128x128xf32>, vector<1x128xf32>, vector<128x1xf32> -> vector<128x1xf32>
    %swap3A_593 = arith.constant 8320 : index
    %swap3A_594 = arith.constant 0 : index
    %swap3A_595 = vector.load %arg6[%swap3A_593, %swap3A_594] : memref<10240x1xf32, #tpu.memory_space<vmem>>, vector<128x1xf32>
    tpu.vector_store %arg6[%swap3A_593, %swap3A_594], %dot_general3A_592 {strides = array<i32>} : memref<10240x1xf32, #tpu.memory_space<vmem>>, vector<128x1xf32>,
    %slice3A_596 = vector.extract_strided_slice %add3A {offsets = [0, 8448], sizes = [1, 128], strides = [1, 1]} : vector<1x10240xf32> to vector<1x128xf32>
    %get3A_597 = arith.constant 0 : index
    %get3A_598 = arith.constant 0 : index
    %get3A_599 = vector.load %arg2[%get3A_597, %get3A_598] : memref<128x128xf32, #tpu.memory_space<vmem>>, vector<128x128xf32>
    %dot_general3A_600 = arith.constant dense<0.000000e+00> : vector<128x1xf32>
    %dot_general3A_601 = tpu.matmul %get3A_599, %slice3A_596, %dot_general3A_600 {dimension_numbers = #tpu.dot_dimension_numbers<[1], [1], [0], [0], [0, 0, 1, 0], [], []>, transpose_lhs_hint = false} : vector<128x128xf32>, vector<1x128xf32>, vector<128x1xf32> -> vector<128x1xf32>
    %swap3A_602 = arith.constant 8448 : index
    %swap3A_603 = arith.constant 0 : index
    %swap3A_604 = vector.load %arg6[%swap3A_602, %swap3A_603] : memref<10240x1xf32, #tpu.memory_space<vmem>>, vector<128x1xf32>
    tpu.vector_store %arg6[%swap3A_602, %swap3A_603], %dot_general3A_601 {strides = array<i32>} : memref<10240x1xf32, #tpu.memory_space<vmem>>, vector<128x1xf32>,
    %slice3A_605 = vector.extract_strided_slice %add3A {offsets = [0, 8576], sizes = [1, 128], strides = [1, 1]} : vector<1x10240xf32> to vector<1x128xf32>
    %get3A_606 = arith.constant 0 : index
    %get3A_607 = arith.constant 0 : index
    %get3A_608 = vector.load %arg2[%get3A_606, %get3A_607] : memref<128x128xf32, #tpu.memory_space<vmem>>, vector<128x128xf32>
    %dot_general3A_609 = arith.constant dense<0.000000e+00> : vector<128x1xf32>
    %dot_general3A_610 = tpu.matmul %get3A_608, %slice3A_605, %dot_general3A_609 {dimension_numbers = #tpu.dot_dimension_numbers<[1], [1], [0], [0], [0, 0, 1, 0], [], []>, transpose_lhs_hint = false} : vector<128x128xf32>, vector<1x128xf32>, vector<128x1xf32> -> vector<128x1xf32>
    %swap3A_611 = arith.constant 8576 : index
    %swap3A_612 = arith.constant 0 : index
    %swap3A_613 = vector.load %arg6[%swap3A_611, %swap3A_612] : memref<10240x1xf32, #tpu.memory_space<vmem>>, vector<128x1xf32>
    tpu.vector_store %arg6[%swap3A_611, %swap3A_612], %dot_general3A_610 {strides = array<i32>} : memref<10240x1xf32, #tpu.memory_space<vmem>>, vector<128x1xf32>,
    %slice3A_614 = vector.extract_strided_slice %add3A {offsets = [0, 8704], sizes = [1, 128], strides = [1, 1]} : vector<1x10240xf32> to vector<1x128xf32>
    %get3A_615 = arith.constant 0 : index
    %get3A_616 = arith.constant 0 : index
    %get3A_617 = vector.load %arg2[%get3A_615, %get3A_616] : memref<128x128xf32, #tpu.memory_space<vmem>>, vector<128x128xf32>
    %dot_general3A_618 = arith.constant dense<0.000000e+00> : vector<128x1xf32>
    %dot_general3A_619 = tpu.matmul %get3A_617, %slice3A_614, %dot_general3A_618 {dimension_numbers = #tpu.dot_dimension_numbers<[1], [1], [0], [0], [0, 0, 1, 0], [], []>, transpose_lhs_hint = false} : vector<128x128xf32>, vector<1x128xf32>, vector<128x1xf32> -> vector<128x1xf32>
    %swap3A_620 = arith.constant 8704 : index
    %swap3A_621 = arith.constant 0 : index
    %swap3A_622 = vector.load %arg6[%swap3A_620, %swap3A_621] : memref<10240x1xf32, #tpu.memory_space<vmem>>, vector<128x1xf32>
    tpu.vector_store %arg6[%swap3A_620, %swap3A_621], %dot_general3A_619 {strides = array<i32>} : memref<10240x1xf32, #tpu.memory_space<vmem>>, vector<128x1xf32>,
    %slice3A_623 = vector.extract_strided_slice %add3A {offsets = [0, 8832], sizes = [1, 128], strides = [1, 1]} : vector<1x10240xf32> to vector<1x128xf32>
    %get3A_624 = arith.constant 0 : index
    %get3A_625 = arith.constant 0 : index
    %get3A_626 = vector.load %arg2[%get3A_624, %get3A_625] : memref<128x128xf32, #tpu.memory_space<vmem>>, vector<128x128xf32>
    %dot_general3A_627 = arith.constant dense<0.000000e+00> : vector<128x1xf32>
    %dot_general3A_628 = tpu.matmul %get3A_626, %slice3A_623, %dot_general3A_627 {dimension_numbers = #tpu.dot_dimension_numbers<[1], [1], [0], [0], [0, 0, 1, 0], [], []>, transpose_lhs_hint = false} : vector<128x128xf32>, vector<1x128xf32>, vector<128x1xf32> -> vector<128x1xf32>
    %swap3A_629 = arith.constant 8832 : index
    %swap3A_630 = arith.constant 0 : index
    %swap3A_631 = vector.load %arg6[%swap3A_629, %swap3A_630] : memref<10240x1xf32, #tpu.memory_space<vmem>>, vector<128x1xf32>
    tpu.vector_store %arg6[%swap3A_629, %swap3A_630], %dot_general3A_628 {strides = array<i32>} : memref<10240x1xf32, #tpu.memory_space<vmem>>, vector<128x1xf32>,
    %slice3A_632 = vector.extract_strided_slice %add3A {offsets = [0, 8960], sizes = [1, 128], strides = [1, 1]} : vector<1x10240xf32> to vector<1x128xf32>
    %get3A_633 = arith.constant 0 : index
    %get3A_634 = arith.constant 0 : index
    %get3A_635 = vector.load %arg2[%get3A_633, %get3A_634] : memref<128x128xf32, #tpu.memory_space<vmem>>, vector<128x128xf32>
    %dot_general3A_636 = arith.constant dense<0.000000e+00> : vector<128x1xf32>
    %dot_general3A_637 = tpu.matmul %get3A_635, %slice3A_632, %dot_general3A_636 {dimension_numbers = #tpu.dot_dimension_numbers<[1], [1], [0], [0], [0, 0, 1, 0], [], []>, transpose_lhs_hint = false} : vector<128x128xf32>, vector<1x128xf32>, vector<128x1xf32> -> vector<128x1xf32>
    %swap3A_638 = arith.constant 8960 : index
    %swap3A_639 = arith.constant 0 : index
    %swap3A_640 = vector.load %arg6[%swap3A_638, %swap3A_639] : memref<10240x1xf32, #tpu.memory_space<vmem>>, vector<128x1xf32>
    tpu.vector_store %arg6[%swap3A_638, %swap3A_639], %dot_general3A_637 {strides = array<i32>} : memref<10240x1xf32, #tpu.memory_space<vmem>>, vector<128x1xf32>,
    %slice3A_641 = vector.extract_strided_slice %add3A {offsets = [0, 9088], sizes = [1, 128], strides = [1, 1]} : vector<1x10240xf32> to vector<1x128xf32>
    %get3A_642 = arith.constant 0 : index
    %get3A_643 = arith.constant 0 : index
    %get3A_644 = vector.load %arg2[%get3A_642, %get3A_643] : memref<128x128xf32, #tpu.memory_space<vmem>>, vector<128x128xf32>
    %dot_general3A_645 = arith.constant dense<0.000000e+00> : vector<128x1xf32>
    %dot_general3A_646 = tpu.matmul %get3A_644, %slice3A_641, %dot_general3A_645 {dimension_numbers = #tpu.dot_dimension_numbers<[1], [1], [0], [0], [0, 0, 1, 0], [], []>, transpose_lhs_hint = false} : vector<128x128xf32>, vector<1x128xf32>, vector<128x1xf32> -> vector<128x1xf32>
    %swap3A_647 = arith.constant 9088 : index
    %swap3A_648 = arith.constant 0 : index
    %swap3A_649 = vector.load %arg6[%swap3A_647, %swap3A_648] : memref<10240x1xf32, #tpu.memory_space<vmem>>, vector<128x1xf32>
    tpu.vector_store %arg6[%swap3A_647, %swap3A_648], %dot_general3A_646 {strides = array<i32>} : memref<10240x1xf32, #tpu.memory_space<vmem>>, vector<128x1xf32>,
    %slice3A_650 = vector.extract_strided_slice %add3A {offsets = [0, 9216], sizes = [1, 128], strides = [1, 1]} : vector<1x10240xf32> to vector<1x128xf32>
    %get3A_651 = arith.constant 0 : index
    %get3A_652 = arith.constant 0 : index
    %get3A_653 = vector.load %arg2[%get3A_651, %get3A_652] : memref<128x128xf32, #tpu.memory_space<vmem>>, vector<128x128xf32>
    %dot_general3A_654 = arith.constant dense<0.000000e+00> : vector<128x1xf32>
    %dot_general3A_655 = tpu.matmul %get3A_653, %slice3A_650, %dot_general3A_654 {dimension_numbers = #tpu.dot_dimension_numbers<[1], [1], [0], [0], [0, 0, 1, 0], [], []>, transpose_lhs_hint = false} : vector<128x128xf32>, vector<1x128xf32>, vector<128x1xf32> -> vector<128x1xf32>
    %swap3A_656 = arith.constant 9216 : index
    %swap3A_657 = arith.constant 0 : index
    %swap3A_658 = vector.load %arg6[%swap3A_656, %swap3A_657] : memref<10240x1xf32, #tpu.memory_space<vmem>>, vector<128x1xf32>
    tpu.vector_store %arg6[%swap3A_656, %swap3A_657], %dot_general3A_655 {strides = array<i32>} : memref<10240x1xf32, #tpu.memory_space<vmem>>, vector<128x1xf32>,
    %slice3A_659 = vector.extract_strided_slice %add3A {offsets = [0, 9344], sizes = [1, 128], strides = [1, 1]} : vector<1x10240xf32> to vector<1x128xf32>
    %get3A_660 = arith.constant 0 : index
    %get3A_661 = arith.constant 0 : index
    %get3A_662 = vector.load %arg2[%get3A_660, %get3A_661] : memref<128x128xf32, #tpu.memory_space<vmem>>, vector<128x128xf32>
    %dot_general3A_663 = arith.constant dense<0.000000e+00> : vector<128x1xf32>
    %dot_general3A_664 = tpu.matmul %get3A_662, %slice3A_659, %dot_general3A_663 {dimension_numbers = #tpu.dot_dimension_numbers<[1], [1], [0], [0], [0, 0, 1, 0], [], []>, transpose_lhs_hint = false} : vector<128x128xf32>, vector<1x128xf32>, vector<128x1xf32> -> vector<128x1xf32>
    %swap3A_665 = arith.constant 9344 : index
    %swap3A_666 = arith.constant 0 : index
    %swap3A_667 = vector.load %arg6[%swap3A_665, %swap3A_666] : memref<10240x1xf32, #tpu.memory_space<vmem>>, vector<128x1xf32>
    tpu.vector_store %arg6[%swap3A_665, %swap3A_666], %dot_general3A_664 {strides = array<i32>} : memref<10240x1xf32, #tpu.memory_space<vmem>>, vector<128x1xf32>,
    %slice3A_668 = vector.extract_strided_slice %add3A {offsets = [0, 9472], sizes = [1, 128], strides = [1, 1]} : vector<1x10240xf32> to vector<1x128xf32>
    %get3A_669 = arith.constant 0 : index
    %get3A_670 = arith.constant 0 : index
    %get3A_671 = vector.load %arg2[%get3A_669, %get3A_670] : memref<128x128xf32, #tpu.memory_space<vmem>>, vector<128x128xf32>
    %dot_general3A_672 = arith.constant dense<0.000000e+00> : vector<128x1xf32>
    %dot_general3A_673 = tpu.matmul %get3A_671, %slice3A_668, %dot_general3A_672 {dimension_numbers = #tpu.dot_dimension_numbers<[1], [1], [0], [0], [0, 0, 1, 0], [], []>, transpose_lhs_hint = false} : vector<128x128xf32>, vector<1x128xf32>, vector<128x1xf32> -> vector<128x1xf32>
    %swap3A_674 = arith.constant 9472 : index
    %swap3A_675 = arith.constant 0 : index
    %swap3A_676 = vector.load %arg6[%swap3A_674, %swap3A_675] : memref<10240x1xf32, #tpu.memory_space<vmem>>, vector<128x1xf32>
    tpu.vector_store %arg6[%swap3A_674, %swap3A_675], %dot_general3A_673 {strides = array<i32>} : memref<10240x1xf32, #tpu.memory_space<vmem>>, vector<128x1xf32>,
    %slice3A_677 = vector.extract_strided_slice %add3A {offsets = [0, 9600], sizes = [1, 128], strides = [1, 1]} : vector<1x10240xf32> to vector<1x128xf32>
    %get3A_678 = arith.constant 0 : index
    %get3A_679 = arith.constant 0 : index
    %get3A_680 = vector.load %arg2[%get3A_678, %get3A_679] : memref<128x128xf32, #tpu.memory_space<vmem>>, vector<128x128xf32>
    %dot_general3A_681 = arith.constant dense<0.000000e+00> : vector<128x1xf32>
    %dot_general3A_682 = tpu.matmul %get3A_680, %slice3A_677, %dot_general3A_681 {dimension_numbers = #tpu.dot_dimension_numbers<[1], [1], [0], [0], [0, 0, 1, 0], [], []>, transpose_lhs_hint = false} : vector<128x128xf32>, vector<1x128xf32>, vector<128x1xf32> -> vector<128x1xf32>
    %swap3A_683 = arith.constant 9600 : index
    %swap3A_684 = arith.constant 0 : index
    %swap3A_685 = vector.load %arg6[%swap3A_683, %swap3A_684] : memref<10240x1xf32, #tpu.memory_space<vmem>>, vector<128x1xf32>
    tpu.vector_store %arg6[%swap3A_683, %swap3A_684], %dot_general3A_682 {strides = array<i32>} : memref<10240x1xf32, #tpu.memory_space<vmem>>, vector<128x1xf32>,
    %slice3A_686 = vector.extract_strided_slice %add3A {offsets = [0, 9728], sizes = [1, 128], strides = [1, 1]} : vector<1x10240xf32> to vector<1x128xf32>
    %get3A_687 = arith.constant 0 : index
    %get3A_688 = arith.constant 0 : index
    %get3A_689 = vector.load %arg2[%get3A_687, %get3A_688] : memref<128x128xf32, #tpu.memory_space<vmem>>, vector<128x128xf32>
    %dot_general3A_690 = arith.constant dense<0.000000e+00> : vector<128x1xf32>
    %dot_general3A_691 = tpu.matmul %get3A_689, %slice3A_686, %dot_general3A_690 {dimension_numbers = #tpu.dot_dimension_numbers<[1], [1], [0], [0], [0, 0, 1, 0], [], []>, transpose_lhs_hint = false} : vector<128x128xf32>, vector<1x128xf32>, vector<128x1xf32> -> vector<128x1xf32>
    %swap3A_692 = arith.constant 9728 : index
    %swap3A_693 = arith.constant 0 : index
    %swap3A_694 = vector.load %arg6[%swap3A_692, %swap3A_693] : memref<10240x1xf32, #tpu.memory_space<vmem>>, vector<128x1xf32>
    tpu.vector_store %arg6[%swap3A_692, %swap3A_693], %dot_general3A_691 {strides = array<i32>} : memref<10240x1xf32, #tpu.memory_space<vmem>>, vector<128x1xf32>,
    %slice3A_695 = vector.extract_strided_slice %add3A {offsets = [0, 9856], sizes = [1, 128], strides = [1, 1]} : vector<1x10240xf32> to vector<1x128xf32>
    %get3A_696 = arith.constant 0 : index
    %get3A_697 = arith.constant 0 : index
    %get3A_698 = vector.load %arg2[%get3A_696, %get3A_697] : memref<128x128xf32, #tpu.memory_space<vmem>>, vector<128x128xf32>
    %dot_general3A_699 = arith.constant dense<0.000000e+00> : vector<128x1xf32>
    %dot_general3A_700 = tpu.matmul %get3A_698, %slice3A_695, %dot_general3A_699 {dimension_numbers = #tpu.dot_dimension_numbers<[1], [1], [0], [0], [0, 0, 1, 0], [], []>, transpose_lhs_hint = false} : vector<128x128xf32>, vector<1x128xf32>, vector<128x1xf32> -> vector<128x1xf32>
    %swap3A_701 = arith.constant 9856 : index
    %swap3A_702 = arith.constant 0 : index
    %swap3A_703 = vector.load %arg6[%swap3A_701, %swap3A_702] : memref<10240x1xf32, #tpu.memory_space<vmem>>, vector<128x1xf32>
    tpu.vector_store %arg6[%swap3A_701, %swap3A_702], %dot_general3A_700 {strides = array<i32>} : memref<10240x1xf32, #tpu.memory_space<vmem>>, vector<128x1xf32>,
    %slice3A_704 = vector.extract_strided_slice %add3A {offsets = [0, 9984], sizes = [1, 128], strides = [1, 1]} : vector<1x10240xf32> to vector<1x128xf32>
    %get3A_705 = arith.constant 0 : index
    %get3A_706 = arith.constant 0 : index
    %get3A_707 = vector.load %arg2[%get3A_705, %get3A_706] : memref<128x128xf32, #tpu.memory_space<vmem>>, vector<128x128xf32>
    %dot_general3A_708 = arith.constant dense<0.000000e+00> : vector<128x1xf32>
    %dot_general3A_709 = tpu.matmul %get3A_707, %slice3A_704, %dot_general3A_708 {dimension_numbers = #tpu.dot_dimension_numbers<[1], [1], [0], [0], [0, 0, 1, 0], [], []>, transpose_lhs_hint = false} : vector<128x128xf32>, vector<1x128xf32>, vector<128x1xf32> -> vector<128x1xf32>
    %swap3A_710 = arith.constant 9984 : index
    %swap3A_711 = arith.constant 0 : index
    %swap3A_712 = vector.load %arg6[%swap3A_710, %swap3A_711] : memref<10240x1xf32, #tpu.memory_space<vmem>>, vector<128x1xf32>
    tpu.vector_store %arg6[%swap3A_710, %swap3A_711], %dot_general3A_709 {strides = array<i32>} : memref<10240x1xf32, #tpu.memory_space<vmem>>, vector<128x1xf32>,
    %slice3A_713 = vector.extract_strided_slice %add3A {offsets = [0, 10112], sizes = [1, 128], strides = [1, 1]} : vector<1x10240xf32> to vector<1x128xf32>
    %get3A_714 = arith.constant 0 : index
    %get3A_715 = arith.constant 0 : index
    %get3A_716 = vector.load %arg2[%get3A_714, %get3A_715] : memref<128x128xf32, #tpu.memory_space<vmem>>, vector<128x128xf32>
    %dot_general3A_717 = arith.constant dense<0.000000e+00> : vector<128x1xf32>
    %dot_general3A_718 = tpu.matmul %get3A_716, %slice3A_713, %dot_general3A_717 {dimension_numbers = #tpu.dot_dimension_numbers<[1], [1], [0], [0], [0, 0, 1, 0], [], []>, transpose_lhs_hint = false} : vector<128x128xf32>, vector<1x128xf32>, vector<128x1xf32> -> vector<128x1xf32>
    %swap3A_719 = arith.constant 10112 : index
    %swap3A_720 = arith.constant 0 : index
    %swap3A_721 = vector.load %arg6[%swap3A_719, %swap3A_720] : memref<10240x1xf32, #tpu.memory_space<vmem>>, vector<128x1xf32>
    tpu.vector_store %arg6[%swap3A_719, %swap3A_720], %dot_general3A_718 {strides = array<i32>} : memref<10240x1xf32, #tpu.memory_space<vmem>>, vector<128x1xf32>,
    %get3A_722 = arith.constant 0 : index
    %get3A_723 = arith.constant 0 : index
    %get3A_724 = vector.load %arg6[%get3A_722, %get3A_723] : memref<10240x1xf32, #tpu.memory_space<vmem>>, vector<10000x1xf32>
    %add3A_725 = arith.constant 1.000000e-10 : f32
    %add3A_726 = vector.broadcast %add3A_725 : f32 to vector<10000x1xf32>
    %add3A_727 = arith.addf %get3A_724, %add3A_726 : vector<10000x1xf32>
    %div3A = arith.constant 1.000000e+00 : f32
    %div3A_728 = vector.broadcast %div3A : f32 to vector<10000x1xf32>
    %div3A_729 = arith.divf %div3A_728, %add3A_727 : vector<10000x1xf32>
    %get3A_730 = arith.constant 0 : index
    %get3A_731 = arith.constant 0 : index
    %get3A_732 = vector.load %arg0[%get3A_730, %get3A_731] : memref<10240x256xf32, #tpu.memory_space<vmem>>, vector<10000x256xf32>
    %mul3A = vector.broadcast %div3A_729 : vector<10000x1xf32> to vector<10000x256xf32>
    %mul3A_733 = arith.mulf %get3A_732, %mul3A : vector<10000x256xf32>
    %get3A_734 = arith.constant 0 : index
    %get3A_735 = arith.constant 0 : index
    %get3A_736 = vector.load %arg3[%get3A_734, %get3A_735] : memref<256x256xf32, #tpu.memory_space<vmem>>, vector<256x256xf32>
    %dot_general3A_737 = arith.constant dense<0.000000e+00> : vector<10000x256xf32>
    %dot_general3A_738 = tpu.matmul %mul3A_733, %get3A_736, %dot_general3A_737 {dimension_numbers = #tpu.dot_dimension_numbers<[1], [0], [0], [1], [0, 0, 1, 1], [], []>, transpose_lhs_hint = false} : vector<10000x256xf32>, vector<256x256xf32>, vector<10000x256xf32> -> vector<10000x256xf32>
    %mul3A_739 = arith.mulf %get3A_724, %div3A_729 : vector<10000x1xf32>
    %get3A_740 = arith.constant 0 : index
    %get3A_741 = arith.constant 0 : index
    %get3A_742 = vector.load %arg4[%get3A_740, %get3A_741] : memref<1x256xf32, #tpu.memory_space<vmem>>, vector<1x256xf32>
    %mul3A_743 = vector.broadcast %mul3A_739 : vector<10000x1xf32> to vector<10000x256xf32>
    %mul3A_744 = vector.broadcast %get3A_742 : vector<1x256xf32> to vector<10000x256xf32>
    %mul3A_745 = arith.mulf %mul3A_743, %mul3A_744 : vector<10000x256xf32>
    %add3A_746 = arith.addf %dot_general3A_738, %mul3A_745 : vector<10000x256xf32>
    %swap3A_747 = arith.constant 0 : index
    %swap3A_748 = arith.constant 0 : index
    %swap3A_749 = vector.load %arg5[%swap3A_747, %swap3A_748] : memref<10000x256xf32, #tpu.memory_space<vmem>>, vector<10000x256xf32>
    tpu.vector_store %arg5[%swap3A_747, %swap3A_748], %add3A_746 {strides = array<i32>} : memref<10000x256xf32, #tpu.memory_space<vmem>>, vector<10000x256xf32>,
    return
  }
}

</mosaic_0001>

<sc_bundles>
// kernel: kernel.5.cloned.1.call-start
scs
__scs_entry_jumppad:
0x0: {  	(pc) =	sbr.rel $0x88, $3  }
0x1: {  	(tag) =	ssettag $0x0;
	lr =	simm.s32 $0x1  }
0x2: {  	[smem:$0x3F99] =	sst lr;
	_ =	strace $0xD0000000  }
0x3: {  	_ = 	snop  }
0x4: {  	_ = 	snop  }
0x5: {  	_ = 	snop  }
0x6: {  	_ = 	snop  }
0x7: {  	_ = 	snop  }
__scs_overlays_trampoline_lowered:
0x8: {  	[smem:$0x3FA8] =	sst s0  }
0x9: {  	[smem:$0x3FA9] =	sst s1  }
0xa: {  	[smem:$0x3FAA] =	sst s2  }
0xb: {  	[smem:$0x3FAB] =	sst s3  }
0xc: {  	[smem:$0x3FAC] =	sst s4  }
0xd: {  	[smem:$0x3FAD] =	sst s5  }
0xe: {  	[smem:$0x3FAE] =	sst s6  }
0xf: {  	[smem:$0x3FAF] =	sst s7  }
0x10: {  	[smem:$0x3FB0] =	sst s8  }
0x11: {  	[smem:$0x3FB1] =	sst s9;
	s0 =	simm.s32 @!p0 $0x0  }
0x12: {  	s1 =	sld [smem:$0x3F97];
	s0 =	simm.s32 @p0 $0x1  }
0x13: {  	[smem:$0x3FB2] =	sst s0;
	s0 =	simm.s32 @!p1 $0x0  }
0x14: {  	s2 =	sld [smem:$0x3F96];
	s0 =	simm.s32 @p1 $0x1  }
0x15: {  	[smem:$0x3FB3] =	sst s0;
	s0 =	simm.s32 @!p2 $0x0  }
0x16: {  	s3 =	sld [smem:$0x3FDB];
	s0 =	simm.s32 @p2 $0x1  }
0x17: {  	s4 =	simm.s32 $0x1BF5;
	[smem:$0x3FB5] =	sst s0  }
0x18: {  	s0 =	sld [smem:$0x3F98];
	_ =	swait.ge [sflag:s4], $0x0  }
0x19: {  	s7 =	sld [smem:$0x3F99]  }
0x1a: {  	s8 =	sadd.s32 $0xFFFFE003, lr  }
0x1b: {  	s9 =	sadd.s32 $0xFFFFFEF7, lr;
	s5 =	simm.s32 $0xFFFFFFFF;
	p2 =	slt.u32 s8, $0xFFFFF086  }
0x1c: {  	p1 =	slt.u32 s9, $0xF7A;
	s5 =	simm.s32 @!p2 $0x0  }
0x1d: {  	s5 =	simm.s32 @p1 $0x1;
	p0 =	seq.s32 s7, s2  }
0x1e: {  	s7 =	smul.u32 @!p0 $0xF7A, s2;
	p2 =	seq.s32 @!p0 s5, $0x0  }
0x1f: {  	s9 =	smul.u32 $0xF7A, s1;
	s8 =	simm.s32 @!p0 $0x1BF5;
	p2 =	por !p2, p0  }
0x20: {  	[sflag:s8] =	ssyncset.s32 @!p0 $0xFFFFF086;
	s6 =	sadd.s32 @!p0 s3, s7;
	s7 =	simm.s32 @!p0 $0x108  }
0x21: {  	s3 =	sadd.s32 s3, s9;
	s6 =	sadd.s32 @!p0 $0x88, s6;
	s7 =	simm.s32 @p2 $0x1082  }
0x22: {  	[simem:s7], [sflag:s8] =	dma.local @!p0 [hbm:s6], $0xF7A  }
0x23: {  	s9 =	sor.u32 $0xD0000000, s2;
	s6 =	simm.s32 $0x108;
	_ =	swait.ge @!p0 [sflag:s8], $0x0  }
0x24: {  	s3 =	sadd.s32 $0x88, s3;
	s6 =	simm.s32 @!p1 $0x1082;
	[sflag:s4] =	ssyncset.s32 $0xFFFFF086  }
0x25: {  	[simem:s6], [sflag:s4] =	dma.local [hbm:s3], $0xF7A  }
0x26: {  	[smem:$0x3F99] =	sst s1;
	(tag) =	ssettag s2;
	_ =	strace s9  }
0x27: {  	s1 =	sld [smem:$0x3FA9]  }
0x28: {  	s2 =	sld [smem:$0x3FAA]  }
0x29: {  	s4 =	sld [smem:$0x3FAC]  }
0x2a: {  	p0 =	seq.s32 s5, $0x0;
	s5 =	sld [smem:$0x3FAD]  }
0x2b: {  	s6 =	sld [smem:$0x3FAE]  }
0x2c: {  	s7 =	sld [smem:$0x3FAF]  }
0x2d: {  	s3 =	simm.s32 $0x108;
	s8 =	sld [smem:$0x3FB0]  }
0x2e: {  	s3 =	simm.s32 @!p0 $0x1082;
	s9 =	sld [smem:$0x3FB1]  }
0x2f: {  	lr =	sadd.s32 s0, s3;
	s0 =	sld [smem:$0x3FA8]  }
0x30: {  	s3 =	sld [smem:$0x3FAB]  }
0x31: {  	[smem:$0x3FB4] =	sst s10  }
0x32: {  	s10 =	sld [smem:$0x3FB2];
	_ =	sdelay $0x3  }
0x33: {  	p0 =	seq.s32 s10, $0x1;
	s10 =	sld [smem:$0x3FB4];
	_ =	sdelay $0x3  }
0x34: {  	[smem:$0x3FB4] =	sst s10  }
0x35: {  	s10 =	sld [smem:$0x3FB3];
	_ =	sdelay $0x3  }
0x36: {  	p1 =	seq.s32 s10, $0x1;
	s10 =	sld [smem:$0x3FB4];
	_ =	sdelay $0x3  }
0x37: {  	[smem:$0x3FB4] =	sst s10  }
0x38: {  	s10 =	sld [smem:$0x3FB5]  }
0x39: {  	_ = 	snop;
	(pc) =	sbr.ind lr, $3  }
0x3a: {  	_ = 	snop  }
0x3b: {  	_ = 	snop  }
0x3c: {  	p2 =	seq.s32 s10, $0x1;
	s10 =	sld [smem:$0x3FB4]  }
0x3d: {  	_ =	shalt  }
0x3e: {  	_ =	shalt  }
0x3f: {  	_ =	shalt  }
0x40: {  	_ =	shalt  }
0x41: {  	_ =	shalt  }
0x42: {  	_ =	shalt  }
0x43: {  	_ =	shalt  }
0x44: {  	_ =	shalt  }
0x45: {  	_ =	shalt  }
0x46: {  	_ =	shalt  }
0x47: {  	_ =	shalt  }
0x48: {  	_ =	shalt  }
0x49: {  	_ =	shalt  }
0x4a: {  	_ =	shalt  }
0x4b: {  	_ =	shalt  }
0x4c: {  	_ =	shalt  }
0x4d: {  	_ =	shalt  }
0x4e: {  	_ =	shalt  }
0x4f: {  	_ =	shalt  }
0x50: {  	_ =	shalt  }
0x51: {  	_ =	shalt  }
0x52: {  	_ =	shalt  }
0x53: {  	_ =	shalt  }
0x54: {  	_ =	shalt  }
0x55: {  	_ =	shalt  }
0x56: {  	_ =	shalt  }
0x57: {  	_ =	shalt  }
0x58: {  	_ =	shalt  }
0x59: {  	_ =	shalt  }
0x5a: {  	_ =	shalt  }
0x5b: {  	_ =	shalt  }
0x5c: {  	_ =	shalt  }
0x5d: {  	_ =	shalt  }
0x5e: {  	_ =	shalt  }
0x5f: {  	_ =	shalt  }
0x60: {  	_ =	shalt  }
0x61: {  	_ =	shalt  }
0x62: {  	_ =	shalt  }
0x63: {  	_ =	shalt  }
0x64: {  	_ =	shalt  }
0x65: {  	_ =	shalt  }
0x66: {  	_ =	shalt  }
0x67: {  	_ =	shalt  }
0x68: {  	_ =	shalt  }
0x69: {  	_ =	shalt  }
0x6a: {  	_ =	shalt  }
0x6b: {  	_ =	shalt  }
0x6c: {  	_ =	shalt  }
0x6d: {  	_ =	shalt  }
0x6e: {  	_ =	shalt  }
0x6f: {  	_ =	shalt  }
0x70: {  	_ =	shalt  }
0x71: {  	_ =	shalt  }
0x72: {  	_ =	shalt  }
0x73: {  	_ =	shalt  }
0x74: {  	_ =	shalt  }
0x75: {  	_ =	shalt  }
0x76: {  	_ =	shalt  }
0x77: {  	_ =	shalt  }
0x78: {  	_ =	shalt  }
0x79: {  	_ =	shalt  }
0x7a: {  	_ =	shalt  }
0x7b: {  	_ =	shalt  }
0x7c: {  	_ =	shalt  }
0x7d: {  	_ =	shalt  }
0x7e: {  	_ =	shalt  }
0x7f: {  	_ =	shalt  }
0x80: {  	_ =	shalt  }
0x81: {  	_ =	shalt  }
0x82: {  	_ =	shalt  }
0x83: {  	_ =	shalt  }
0x84: {  	_ =	shalt  }
0x85: {  	_ =	shalt  }
0x86: {  	_ =	shalt  }
0x87: {  	_ =	shalt  }
.Lfunc_end0:
.L_simem_size_0:
called_computation_lowered:
.L_overlay_start_0:
0x88: {  	s2 =	sld [smem:$0x3FD9]  }
0x89: {  	s3 =	sld [smem:$0x3FFE];
	_ =	sdelay $0x1  }
0x8a: {  	s1 =	srdreg.scid  }
0x8b: {  	s0 =	sand.u32 $0x1, s1  }
0x8c: {  	s17 =	sshll.u32 s0, $0xA;
	s2 =	sadd.s32 s3, s2  }
0x8d: {  	s2 =	sadd.s32 s2, s17  }
0x8e: {  	[smem:$0x3FC0] =	sst s2  }
0x8f: {  	_ = 	snop  }
0x90: {  	s2 =	sld [smem:$0x3FD0];
	(tm) =	ssettm $0x1  }
0x91: {  	s18 =	sld [smem:$0x3FFB];
	_ =	sdelay $0x3  }
0x92: {  	_ =	strace s18  }
0x93: {  	s3 =	sld [smem:$0x3FFC];
	_ =	sdelay $0x3  }
0x94: {  	_ =	strace s3  }
0x95: {  	s3 =	sld [smem:$0x3FFD];
	_ =	sdelay $0x3  }
0x96: {  	_ =	strace s3  }
0x97: {  	_ =	strace $0x8FFFFFFF  }
0x98: {  	s19 =	sld [smem:$0x3FDB];
	_ =	sdelay $0x1  }
0x99: {  	s4 =	simm.s32 $_scs_section_size  }
0x9a: {  	s5 =	simm.s32 $_size__tile_overlayer_lowered;
	s6 =	simm.s32 $_tile_overlayer_lowered  }
0x9b: {  	s22 =	simm.s32 $0x1BFF;
	s21 =	sshll.u32 s6, $0x1;
	s3 =	sadd.s32 s4, s19  }
0x9c: {  	s7 =	simm.s32 $0x0;
	s20 =	sshll.u32 s5, $0x1;
	s5 =	sadd.s32 s21, s3  }
0x9d: {  	[timem:s7], [sflag:s22] =	dma.local [hbm:s5], s20  }
0x9e: {  	_ =	swait.ge [sflag:s22], s20  }
0x9f: {  	s4 =	ssub.s32 $0x0, s20;
	[sflag:s22] =	ssyncset.done $0x0  }
0xa0: {  	[sflag:s22] =	ssyncadd.s32 s4;
	_ =	sdelay $0x1  }
0xa1: {  	s23 =	simm.s32 $0x1B8B  }
0xa2: {  	_ =	swait.ge [sflag:s23], $0x1  }
0xa3: {  	[sflag:s23] =	ssyncset.done $0x0  }
0xa4: {  	s25 =	simm.s32 $0x1B8E;
	s24 =	sld [smem:$0x3FFE];
	[sflag:s23] =	ssyncadd.s32 $0xFFFFFFFF  }
0xa5: {  	s26 =	simm.s32 $execute0_lowered;
	[smem:$0x3FD2] =	sst s25  }
0xa6: {  	s5 =	sshll.u32 s26, $0x1;
	_ =	strace $0x80000046;
	[dreg:$0x1] =	wrdreg $0xFFFFFFFF  }
0xa7: {  	s28 =	simm.s32 $_size_execute0_lowered;
	s3 =	sadd.s32 s3, s5;
	[dreg:$0x0] =	wrdreg $0x0  }
0xa8: {  	s5 =	sshll.u32 s28, $0x1;
	[dreg:$0x2] =	wrdreg s3  }
0xa9: {  	[dreg:$0x3] =	wrdreg s5  }
0xaa: {  	[dreg:$0x4] =	wrdreg $0xC0  }
0xab: {  	_ =	task [dreg:s7], $0x5FFFF  }
0xac: {  	[dreg:$0x1] =	wrdreg $0xFFFFFFFF  }
0xad: {  	[dreg:$0x0] =	wrdreg $0x60  }
0xae: {  	[dreg:$0x2] =	wrdreg s24  }
0xaf: {  	[dreg:$0x3] =	wrdreg s2  }
0xb0: {  	[dreg:$0x4] =	wrdreg $0x2A800  }
0xb1: {  	[dreg:$0x5] =	wrdreg $0x9  }
0xb2: {  	_ =	task.clear_ibuf [dreg:s7], $0x6FFFF;
	_ =	strace $0x90000046  }
0xb3: {  	s29 =	simm.s32 $0x9;
	_ =	strace $0x80000048  }
0xb4: {  	_ =	swait.ge [sflag:s29], $0x1  }
0xb5: {  	[sflag:s29] =	ssyncadd.s32 $0xFFFFFFFF  }
0xb6: {  	_ =	strace $0x90000048  }
0xb7: {  	_ =	sfence  }
0xb8: {  	s30 =	sld [smem:$0x0];
	_ =	sdelay $0x2  }
0xb9: {  	s31 =	sshll.u32 s1, $0xD;
	s1 =	sshrl.u32 s1, $0x2  }
0xba: {  	s3 =	sand.u32 $0x4000, s31;
	s1 =	sadd.s32 s1, s30  }
0xbb: {  	s0 =	sor.u32 s3, s0;
	s1 =	sshll.u32 s1, $0x11  }
0xbc: {  	s0 =	sor.u32 s1, s0  }
0xbd: {  	s0 =	sadd.s32 $0x8F2B, s0  }
0xbe: {  	[sflag:s0] =	ssyncadd.remote.s32 $0x1  }
0xbf: {  	_ =	sfence.sel $0xFFFF  }
0xc0: {  	[dreg:$0x0] =	wrdreg $0xFFFFFFFF;
	(pc) =	sbr.abs _section_cstart, $3  }
0xc1: {  	[dreg:$0x1] =	wrdreg $0xFFFFFFFF  }
0xc2: {  	_ =	task.clear_ibuf [dreg:s7], $0x2FFFF;
	_ =	strace $0x9FFFFFFF  }
0xc3: {  	(tm) =	ssettm $0x7FFFFFFF  }
tec
execute0_lowered:
.L_overlay_start_1:
0x0: {  	(tag) =	ssettag $0x1  }
0x1: {  	s3 =	rddreg [dreg:$0x0]  }
0x2: {  	s0 =	srdreg.scid;
	s5 =	rddreg [dreg:$0x1]  }
0x3: {  	s11 =	stileid.u32;
	s1 =	rddreg [dreg:$0x2]  }
0x4: {  	s2 =	simm.s32 $0x0;
	s4 =	sand.u32 $0x1, s0;
	s0 =	rddreg [dreg:$0x3]  }
0x5: {  	s13 =	simm.s32 $0x0;
	[smem:$0x7FF] =	sst s2;
	s8 =	smul.u32 $0xA00, s11  }
0x6: {  	p0 =	sne.s32 s11, $0x0;
	s6 =	sshll.u32 s4, $0x4;
	s4 =	ssub.s32 $0x2, s4  }
0x7: {  	_ =	strace $0x80000047;
	s12 =	sshrl.u32 @!p0 s1, $0x3;
	s7 =	sor.u32 s11, s6  }
0x8: {  	s10 =	sshrl.u32 s4, $0x1;
	s6 =	sadd.s32 s6, s3;
	s7 =	smul.u32 $0x280, s7  }
0x9: {  	s31 =	sshrl.u32 s8, $0x2;
	s8 =	simm.s32 $0x2800;
	s11 =	simm.s32 $0x80  }
0xa: {  	s10 =	ssub.s32 s4, s10;
	s6 =	sadd.s32 $0x5E00, s6;
	s9 =	sadd.s32 s7, s3  }
0xb: {  	s3 =	sadd.s32 s31, s1;
	s5 =	sadd.s32 s5, s7;
	s7 =	smax.u32 s10, $0x1  }
0xc: {  	v0 =	vimm.f32 $0.0e+00;
	s10 =	simm.s32 $0x1400;
	s4 =	sadd.s32 $0xE00, s9;
	s9 =	simm.s32 $0x1  }
.LBB2_1:
0xd: {  	[tilespmem:$0x2800] =	vst v0  }
0xe: {  	[tilespmem:$0x2810] =	vst v0  }
0xf: {  	[tilespmem:$0x2820] =	vst v0  }
0x10: {  	[tilespmem:$0x2830] =	vst v0  }
0x11: {  	[tilespmem:$0x2840] =	vst v0  }
0x12: {  	[tilespmem:$0x2850] =	vst v0  }
0x13: {  	[tilespmem:$0x2860] =	vst v0  }
0x14: {  	[tilespmem:$0x2870] =	vst v0  }
0x15: {  	[tilespmem:$0x2880] =	vst v0  }
0x16: {  	[tilespmem:$0x2890] =	vst v0  }
0x17: {  	[tilespmem:$0x28A0] =	vst v0  }
0x18: {  	[tilespmem:$0x28B0] =	vst v0  }
0x19: {  	[tilespmem:$0x28C0] =	vst v0  }
0x1a: {  	[tilespmem:$0x28D0] =	vst v0  }
0x1b: {  	[tilespmem:$0x28E0] =	vst v0  }
0x1c: {  	[tilespmem:$0x28F0] =	vst v0  }
0x1d: {  	[tilespmem:$0x2900] =	vst v0  }
0x1e: {  	[tilespmem:$0x2910] =	vst v0  }
0x1f: {  	[tilespmem:$0x2920] =	vst v0  }
0x20: {  	[tilespmem:$0x2930] =	vst v0  }
0x21: {  	[tilespmem:$0x2940] =	vst v0  }
0x22: {  	[tilespmem:$0x2950] =	vst v0  }
0x23: {  	[tilespmem:$0x2960] =	vst v0  }
0x24: {  	[tilespmem:$0x2970] =	vst v0  }
0x25: {  	[tilespmem:$0x2980] =	vst v0  }
0x26: {  	[tilespmem:$0x2990] =	vst v0  }
0x27: {  	[tilespmem:$0x29A0] =	vst v0  }
0x28: {  	[tilespmem:$0x29B0] =	vst v0  }
0x29: {  	[tilespmem:$0x29C0] =	vst v0  }
0x2a: {  	[tilespmem:$0x29D0] =	vst v0  }
0x2b: {  	[tilespmem:$0x29E0] =	vst v0  }
0x2c: {  	[tilespmem:$0x29F0] =	vst v0  }
0x2d: {  	[tilespmem:$0x2A00] =	vst v0  }
0x2e: {  	[tilespmem:$0x2A10] =	vst v0  }
0x2f: {  	[tilespmem:$0x2A20] =	vst v0  }
0x30: {  	[tilespmem:$0x2A30] =	vst v0  }
0x31: {  	[tilespmem:$0x2A40] =	vst v0  }
0x32: {  	[tilespmem:$0x2A50] =	vst v0  }
0x33: {  	[tilespmem:$0x2A60] =	vst v0  }
0x34: {  	[tilespmem:$0x2A70] =	vst v0  }
0x35: {  	[spmem:s3] =	stream.linear.scatter [tilespmem:s8], [sflag:$0x1], $0x280, $0x38;
	[tilespmem:$0x2D00] =	vst v63  }
0x36: {  	_ =	swait.ge [sflag:s9], $0x280  }
0x37: {  	[sflag:s9] =	ssyncset.done $0x0  }
0x38: {  	[sflag:s9] =	ssyncadd.s32 $0xFFFFFD80  }
0x39: {  	[bflag:$0x0] =	sbarrier.arrive $0xFFFF  }
0x3a: {  	[tilespmem:s2], [sflag:$0x1] =	stream.linear.gather [hbm4b:s4+s2], $0x1400, $0x38;
	[tilespmem:$0x2D00] =	vst v63  }
0x3b: {  	_ =	swait.ge [sflag:s9], $0x1400  }
0x3c: {  	[sflag:s9] =	ssyncset.done $0x0  }
0x3d: {  	[sflag:s9] =	ssyncadd.s32 $0xFFFFEC00  }
0x3e: {  	[tilespmem:s10], [sflag:$0x1] =	stream.linear.gather [hbm4b:s5+s2], $0x1400, $0x38;
	[tilespmem:$0x2D00] =	vst v63  }
0x3f: {  	_ =	swait.ge [sflag:s9], $0x1400  }
0x40: {  	[sflag:s9] =	ssyncset.done $0x0  }
0x41: {  	s14 =	simm.s32 $0x0;
	s15 =	simm.s32 $0x1400;
	[sflag:s9] =	ssyncadd.s32 $0xFFFFEC00  }
0x42: {  	[spmem:s1] =	stream.indirect.scatter.add.f32 [tilespmem:s14], [sflag:$0x1], $0x1, s15, s11, $0xb8;
	[tilespmem:$0x2D00] =	vst v63  }
0x43: {  	s14 =	simm.s32 $0x200;
	_ =	swait.ge [sflag:s9], $0x80  }
.LBB2_2:
0x44: {  	s15 =	sshra.s32 s14, $0x2;
	[sflag:s9] =	ssyncset.done $0x0;
	p1 =	sne.s32 s14, $0x4E00  }
.Ltmp0:
0x45: {  	s16 =	sadd.s32 $0x1400, s15;
	[sflag:s9] =	ssyncadd.s32 $0xFFFFFF80;
	(pc) =	sbr.rel @p1 .LBB2_2-.Ltmp0, $3  }
0x46: {  	[spmem:s1] =	stream.indirect.scatter.add.f32 [tilespmem:s15], [sflag:$0x1], $0x1, s16, s11, $0xb8;
	[tilespmem:$0x2D00] =	vst v63  }
0x47: {  	s14 =	sadd.s32 $0x200, s14;
	_ =	sdelay $0x1  }
0x48: {  	_ =	swait.ge [sflag:s9], $0x80  }
0x49: {  	[sflag:s9] =	ssyncset.done $0x0  }
0x4a: {  	s14 =	simm.s32 @!p0 $0x1;
	s15 =	simm.s32 @!p0 $0x20;
	s13 =	sadd.s32 $0x1, s13  }
0x4b: {  	s16 =	simm.s32 @!p0 $0x10;
	[sflag:s9] =	ssyncadd.s32 $0xFFFFFF80;
	p1 =	sne.s32 s13, s7  }
.Ltmp1:
0x4c: {  	s17 =	simm.s32 @!p0 $0x1C01;
	[bflag:$0x0] =	sbarrier.arrive $0xFFFF;
	(pc) =	sbr.rel @p1 .LBB2_1-.Ltmp1, $4  }
0x4d: {  	[hbm:s6@s15], [sflag:s17] =	dma.strided @!p0 [spmem:s12@s16], $0x500, s14, $0x10   }
0x4e: {  	_ =	swait.ge @!p0 [sflag:s14], $0x500  }
0x4f: {  	[sflag:s14] =	ssyncset.done @!p0 $0x0  }
0x50: {  	[sflag:s14] =	ssyncadd.s32 @!p0 $0xFFFFFB00  }
0x51: {  	_ =	sfence.sel $0x180000  }
0x52: {  	[bflag:$0x0] =	sbarrier.arrive $0xFFFF  }
0x53: {  	_ =	strace $0x90000047  }
0x54: {  	s0 =	sadd.s32 @!p0 $0x100000, s0;
	[bflag:$0x2] =	sbarrier.arrive $0xFFFF  }
0x55: {  	[sflag:s0] =	ssyncadd.tile.s32 @!p0 $0x1;
	_ =	shalt  }
.Lfunc_end2:
_tile_overlayer_lowered:
.L_overlay_start_2:
0x56: {  	(tag) =	ssettag $0x2  }
0x57: {  	s0 =	rddreg [dreg:$0x0];
	s2 =	stileid.u32  }
0x58: {  	s1 =	rddreg [dreg:$0x1];
	p0 =	sne.s32 s2, $0x0  }
0x59: {  	s3 =	rddreg [dreg:$0x2];
	[bflag:$0x3] =	sbarrier.arrive $0xFFFF;
	s2 =	simm.s32 @!p0 $0x1C01  }
0x5a: {  	[timem:s3], [sflag:s2] =	dma.local @!p0 [hbm:s0], s1  }
0x5b: {  	s0 =	simm.s32 @!p0 $0x1  }
0x5c: {  	_ =	swait.ge @!p0 [sflag:s0], s1  }
0x5d: {  	s1 =	ssub.s32 @!p0 $0x0, s1;
	[sflag:s0] =	ssyncset.done @!p0 $0x0  }
0x5e: {  	[sflag:s0] =	ssyncadd.s32 @!p0 s1  }
0x5f: {  	[bflag:$0x3] =	sbarrier.arrive $0xFFFF  }
0x60: {  	_ =	shalt  }

</sc_bundles>
